<compile_context>
chip_gen: v7x
topology: tpu7x:2x2x1
jax: 0.10.2.dev20260603
libtpu: 0.0.44.dev20260713+nightly
codegen_flags: <defaults>
</compile_context>

<pallas_src>
import jax
import jax.numpy as jnp
from jax import lax
from jax.experimental import pallas as pl
from jax.experimental.pallas import tpu as pltpu
from jax.experimental.pallas import tpu_sc as plsc

_NUM_CORES = 2
_NUM_SUBCORES = 16
_CHUNK = 32
_NBUF = 5


def kernel(x, embed_weight):
    b, s = x.shape
    n = b * s
    v, d = embed_weight.shape
    nw = _NUM_CORES * _NUM_SUBCORES
    bw = n // nw
    nchunk = bw // _CHUNK

    mesh = plsc.VectorSubcoreMesh(core_axis_name="c", subcore_axis_name="s")

    @pl.kernel(
        out_type=jax.ShapeDtypeStruct((b, s, d), embed_weight.dtype),
        mesh=mesh,
        scratch_types=[
            pltpu.VMEM((bw,), jnp.int32),
        ] + [pltpu.VMEM((_CHUNK, d), jnp.float32) for _ in range(_NBUF)] + [
            pltpu.SemaphoreType.DMA,
            pltpu.SemaphoreType.DMA,
        ],
    )
    def k(table_hbm, i_hbm, o_hbm, idx_v, *rest):
        bufs = rest[:_NBUF]
        gsem, wsem = rest[_NBUF:]
        wid = lax.axis_index("s") * _NUM_CORES + lax.axis_index("c")
        base = wid * bw
        bi = base // s
        col0 = base % s
        pltpu.sync_copy(i_hbm.at[bi, pl.ds(col0, bw)], idx_v)

        def start_gather(c):
            return pltpu.async_copy(
                table_hbm.at[idx_v.at[pl.ds(c * _CHUNK, _CHUNK)]],
                bufs[c % _NBUF], gsem)

        gathers = [None] * nchunk
        writes = [None] * nchunk
        for c in range(_NBUF - 1):
            gathers[c] = start_gather(c)
        for c in range(nchunk):
            gathers[c].wait()
            writes[c] = pltpu.async_copy(
                bufs[c % _NBUF],
                o_hbm.at[bi, pl.ds(col0 + c * _CHUNK, _CHUNK)], wsem)
            if c + _NBUF - 1 < nchunk:
                if c >= 1:
                    writes[c - 1].wait()
                gathers[c + _NBUF - 1] = start_gather(c + _NBUF - 1)
        for c in range(max(0, nchunk - _NBUF), nchunk):
            writes[c].wait()

    return k(embed_weight, x.astype(jnp.int32))

# --- scband reference (transcript-rebuilt; emitter-appended) ---
"""Pipeline reference for scband-prompt-token-embedding-80728205296041 (READ-ONLY COPY).

The authoritative reference and input builder live on the scoring server;
editing this copy changes nothing except your own understanding.
"""

import jax, jax.numpy as jnp
import numpy as np

VOCAB = 30522
EMB_DIM = 768

def setup_inputs(seed: int = 0) -> dict:
    key = jax.random.key(seed)
    k1, k2 = jax.random.split(key)
    x = jax.random.randint(k1, (4, 4096), 0, VOCAB, dtype=jnp.int64 if jax.config.jax_enable_x64 else jnp.int32)
    embed_weight = jax.random.normal(k2, (VOCAB, EMB_DIM), dtype=jnp.float32) * 0.02
    return {"x": x, "embed_weight": embed_weight}

def reference(x, embed_weight):
    # nn.Embedding.from_pretrained forward: gather rows of the table by token id.
    return jnp.take(embed_weight, x, axis=0)

if __name__ == "__main__":
    import jax
    _d = setup_inputs()
    print(jax.jit(kernel)(*tuple(_d.values())))

</pallas_src>

<mosaic_0001>
#map = affine_map<(d0, d1) -> (0, 0)>
#map1 = affine_map<(d0, d1) -> (0, 0, 0)>
module attributes {stable_mosaic.version = 14 : i64} {
  func.func @k(%arg0: i32, %arg1: i32, %arg2: memref<30522x768xf32, #tpu.memory_space<hbm>>, %arg3: memref<4x4096xi32, #tpu.memory_space<hbm>>, %arg4: memref<4x4096x768xf32, #tpu.memory_space<hbm>>, %arg5: memref<512xi32, #tpu.memory_space<vmem>>, %arg6: memref<32x768xf32, #tpu.memory_space<vmem>>, %arg7: memref<32x768xf32, #tpu.memory_space<vmem>>, %arg8: memref<32x768xf32, #tpu.memory_space<vmem>>, %arg9: memref<32x768xf32, #tpu.memory_space<vmem>>, %arg10: memref<32x768xf32, #tpu.memory_space<vmem>>, %arg11: memref<!tpu.dma_semaphore, #tpu.memory_space<semaphore_mem>>, %arg12: memref<!tpu.dma_semaphore, #tpu.memory_space<semaphore_mem>>) attributes {dimension_semantics = [#tpu.dimension_semantics<core_parallel>, #tpu.dimension_semantics<subcore_parallel>], iteration_bounds = array<i64: 2, 16>, scalar_prefetch = 0 : i64, scratch_operands = 8 : i64, tpu.core_type = #tpu.core_type<sc_vector_subcore>, window_params = [{transform_indices = #map}, {transform_indices = #map}, {transform_indices = #map1}]} {
    %mul3A = arith.constant 2 : i32
    %mul3A_0 = arith.muli %arg1, %mul3A : i32
    %add3A = arith.addi %mul3A_0, %arg0 : i32
    %mul3A_1 = arith.constant 512 : i32
    %mul3A_2 = arith.muli %add3A, %mul3A_1 : i32
    %jit3A = arith.constant 4096 : i32
    %div3A = arith.divsi %mul3A_2, %jit3A : i32
    %sign3A = arith.constant 0 : i32
    %sign3A_3 = arith.cmpi sgt, %mul3A_2, %sign3A : i32
    %sign3A_4 = arith.extui %sign3A_3 : i1 to i32
    %sign3A_5 = arith.constant 0 : i32
    %sign3A_6 = arith.cmpi slt, %mul3A_2, %sign3A_5 : i32
    %sign3A_7 = arith.extui %sign3A_6 : i1 to i32
    %sign3A_8 = arith.subi %sign3A_4, %sign3A_7 : i32
    %sign3A_9 = arith.constant 0 : i32
    %sign3A_10 = arith.cmpi sgt, %jit3A, %sign3A_9 : i32
    %sign3A_11 = arith.extui %sign3A_10 : i1 to i32
    %sign3A_12 = arith.constant 0 : i32
    %sign3A_13 = arith.cmpi slt, %jit3A, %sign3A_12 : i32
    %sign3A_14 = arith.extui %sign3A_13 : i1 to i32
    %sign3A_15 = arith.subi %sign3A_11, %sign3A_14 : i32
    %ne3A = arith.cmpi ne, %sign3A_8, %sign3A_15 : i32
    %rem3A = arith.remsi %mul3A_2, %jit3A : i32
    %ne3A_16 = arith.constant 0 : i32
    %ne3A_17 = arith.cmpi ne, %rem3A, %ne3A_16 : i32
    %and3A = arith.andi %ne3A, %ne3A_17 : i1
    %sub3A = arith.constant 1 : i32
    %sub3A_18 = arith.subi %div3A, %sub3A : i32
    %select_n3A = arith.select %and3A, %sub3A_18, %div3A : i32
    %jit3A_19 = arith.constant 4096 : i32
    %eq3A = arith.constant 0 : i32
    %eq3A_20 = arith.cmpi eq, %jit3A_19, %eq3A : i32
    %jit3A_21 = arith.constant 1 : i32
    %select_n3A_22 = arith.select %eq3A_20, %jit3A_21, %jit3A_19 : i32
    %rem3A_23 = arith.remsi %mul3A_2, %select_n3A_22 : i32
    %ne3A_24 = arith.constant 0 : i32
    %ne3A_25 = arith.cmpi ne, %rem3A_23, %ne3A_24 : i32
    %lt3A = arith.constant 0 : i32
    %lt3A_26 = arith.cmpi slt, %rem3A_23, %lt3A : i32
    %lt3A_27 = arith.constant 0 : i32
    %lt3A_28 = arith.cmpi slt, %select_n3A_22, %lt3A_27 : i32
    %ne3A_29 = arith.xori %lt3A_26, %lt3A_28 : i1
    %and3A_30 = arith.andi %ne3A_29, %ne3A_25 : i1
    %add3A_31 = arith.addi %rem3A_23, %select_n3A_22 : i32
    %select_n3A_32 = arith.select %and3A_30, %add3A_31, %rem3A_23 : i32
    "tpu.region"() ({
      %run_scoped3A = tpu.sem_alloc : memref<!tpu.dma_semaphore, #tpu.memory_space<semaphore_mem>>
      %dma_start3A_415 = tpu.memref_slice %arg3[%select_n3A, %select_n3A_32] : memref<4x4096xi32, #tpu.memory_space<hbm>> -> memref<1x512xi32, #tpu.memory_space<hbm>>
      %dma_start3A_416 = tpu.memref_squeeze %dma_start3A_415 : memref<1x512xi32, #tpu.memory_space<hbm>> -> memref<512xi32, #tpu.memory_space<hbm>>
      %dma_start3A_417 = tpu.memref_slice %arg3[%select_n3A, %select_n3A_32] : memref<4x4096xi32, #tpu.memory_space<hbm>> -> memref<1x512xi32, #tpu.memory_space<hbm>>
      %dma_start3A_418 = tpu.memref_squeeze %dma_start3A_417 : memref<1x512xi32, #tpu.memory_space<hbm>> -> memref<512xi32, #tpu.memory_space<hbm>>
      tpu.enqueue_dma source(%dma_start3A_418 : memref<512xi32, #tpu.memory_space<hbm>>) target(%arg5 : memref<512xi32, #tpu.memory_space<vmem>>) target_semaphore(%run_scoped3A : memref<!tpu.dma_semaphore, #tpu.memory_space<semaphore_mem>>)
      %dma_wait3A_419 = tpu.memref_slice %arg3[%select_n3A, %select_n3A_32] : memref<4x4096xi32, #tpu.memory_space<hbm>> -> memref<1x512xi32, #tpu.memory_space<hbm>>
      %dma_wait3A_420 = tpu.memref_squeeze %dma_wait3A_419 : memref<1x512xi32, #tpu.memory_space<hbm>> -> memref<512xi32, #tpu.memory_space<hbm>>
      %dma_wait3A_421 = tpu.memref_slice %arg3[%select_n3A, %select_n3A_32] : memref<4x4096xi32, #tpu.memory_space<hbm>> -> memref<1x512xi32, #tpu.memory_space<hbm>>
      %dma_wait3A_422 = tpu.memref_squeeze %dma_wait3A_421 : memref<1x512xi32, #tpu.memory_space<hbm>> -> memref<512xi32, #tpu.memory_space<hbm>>
      tpu.wait_dma2 semaphore(%run_scoped3A : memref<!tpu.dma_semaphore, #tpu.memory_space<semaphore_mem>>) src(%dma_wait3A_422 : memref<512xi32, #tpu.memory_space<hbm>>) dst(%arg5 : memref<512xi32, #tpu.memory_space<vmem>>)
      tpu.yield
    }) : () -> ()
    %dma_start3A = arith.constant 0 : i32
    %dma_start3A_33 = tpu.memref_slice %arg5[%dma_start3A] : memref<512xi32, #tpu.memory_space<vmem>> -> memref<32xi32, #tpu.memory_space<vmem>>
    %dma_start3A_34 = arith.constant 0 : i32
    %dma_start3A_35 = arith.constant 0 : i32
    %dma_start3A_36 = tpu.memref_slice %arg2[%dma_start3A_34, %dma_start3A_35] : memref<30522x768xf32, #tpu.memory_space<hbm>> -> memref<30522x768xf32, #tpu.memory_space<hbm>>
    tpu.enqueue_indirect_dma source(%dma_start3A_36 : memref<30522x768xf32, #tpu.memory_space<hbm>>) target(%arg6 : memref<32x768xf32, #tpu.memory_space<vmem>>) offsets(%dma_start3A_33 : memref<32xi32, #tpu.memory_space<vmem>>) semaphore(%arg11 : memref<!tpu.dma_semaphore, #tpu.memory_space<semaphore_mem>>)
    %dma_start3A_37 = arith.constant 32 : i32
    %dma_start3A_38 = tpu.memref_slice %arg5[%dma_start3A_37] : memref<512xi32, #tpu.memory_space<vmem>> -> memref<32xi32, #tpu.memory_space<vmem>>
    %dma_start3A_39 = arith.constant 0 : i32
    %dma_start3A_40 = arith.constant 0 : i32
    %dma_start3A_41 = tpu.memref_slice %arg2[%dma_start3A_39, %dma_start3A_40] : memref<30522x768xf32, #tpu.memory_space<hbm>> -> memref<30522x768xf32, #tpu.memory_space<hbm>>
    tpu.enqueue_indirect_dma source(%dma_start3A_41 : memref<30522x768xf32, #tpu.memory_space<hbm>>) target(%arg7 : memref<32x768xf32, #tpu.memory_space<vmem>>) offsets(%dma_start3A_38 : memref<32xi32, #tpu.memory_space<vmem>>) semaphore(%arg11 : memref<!tpu.dma_semaphore, #tpu.memory_space<semaphore_mem>>)
    %dma_start3A_42 = arith.constant 64 : i32
    %dma_start3A_43 = tpu.memref_slice %arg5[%dma_start3A_42] : memref<512xi32, #tpu.memory_space<vmem>> -> memref<32xi32, #tpu.memory_space<vmem>>
    %dma_start3A_44 = arith.constant 0 : i32
    %dma_start3A_45 = arith.constant 0 : i32
    %dma_start3A_46 = tpu.memref_slice %arg2[%dma_start3A_44, %dma_start3A_45] : memref<30522x768xf32, #tpu.memory_space<hbm>> -> memref<30522x768xf32, #tpu.memory_space<hbm>>
    tpu.enqueue_indirect_dma source(%dma_start3A_46 : memref<30522x768xf32, #tpu.memory_space<hbm>>) target(%arg8 : memref<32x768xf32, #tpu.memory_space<vmem>>) offsets(%dma_start3A_43 : memref<32xi32, #tpu.memory_space<vmem>>) semaphore(%arg11 : memref<!tpu.dma_semaphore, #tpu.memory_space<semaphore_mem>>)
    %dma_start3A_47 = arith.constant 96 : i32
    %dma_start3A_48 = tpu.memref_slice %arg5[%dma_start3A_47] : memref<512xi32, #tpu.memory_space<vmem>> -> memref<32xi32, #tpu.memory_space<vmem>>
    %dma_start3A_49 = arith.constant 0 : i32
    %dma_start3A_50 = arith.constant 0 : i32
    %dma_start3A_51 = tpu.memref_slice %arg2[%dma_start3A_49, %dma_start3A_50] : memref<30522x768xf32, #tpu.memory_space<hbm>> -> memref<30522x768xf32, #tpu.memory_space<hbm>>
    tpu.enqueue_indirect_dma source(%dma_start3A_51 : memref<30522x768xf32, #tpu.memory_space<hbm>>) target(%arg9 : memref<32x768xf32, #tpu.memory_space<vmem>>) offsets(%dma_start3A_48 : memref<32xi32, #tpu.memory_space<vmem>>) semaphore(%arg11 : memref<!tpu.dma_semaphore, #tpu.memory_space<semaphore_mem>>)
    %dma_wait3A = arith.constant 0 : i32
    %dma_wait3A_52 = tpu.memref_slice %arg5[%dma_wait3A] : memref<512xi32, #tpu.memory_space<vmem>> -> memref<32xi32, #tpu.memory_space<vmem>>
    %dma_wait3A_53 = arith.constant 0 : i32
    %dma_wait3A_54 = arith.constant 0 : i32
    %dma_wait3A_55 = tpu.memref_slice %arg2[%dma_wait3A_53, %dma_wait3A_54] : memref<30522x768xf32, #tpu.memory_space<hbm>> -> memref<30522x768xf32, #tpu.memory_space<hbm>>
    tpu.wait_indirect_dma semaphore(%arg11 : memref<!tpu.dma_semaphore, #tpu.memory_space<semaphore_mem>>) src(%dma_wait3A_55 : memref<30522x768xf32, #tpu.memory_space<hbm>>) dst(%arg6 : memref<32x768xf32, #tpu.memory_space<vmem>>)
    %add3A_56 = arith.constant 0 : i32
    %add3A_57 = arith.addi %select_n3A_32, %add3A_56 : i32
    %dma_start3A_58 = arith.constant 0 : i32
    %dma_start3A_59 = tpu.memref_slice %arg4[%select_n3A, %add3A_57, %dma_start3A_58] : memref<4x4096x768xf32, #tpu.memory_space<hbm>> -> memref<1x32x768xf32, #tpu.memory_space<hbm>>
    %dma_start3A_60 = tpu.memref_squeeze %dma_start3A_59 : memref<1x32x768xf32, #tpu.memory_space<hbm>> -> memref<32x768xf32, #tpu.memory_space<hbm>>
    %dma_start3A_61 = arith.constant 0 : i32
    %dma_start3A_62 = tpu.memref_slice %arg4[%select_n3A, %add3A_57, %dma_start3A_61] : memref<4x4096x768xf32, #tpu.memory_space<hbm>> -> memref<1x32x768xf32, #tpu.memory_space<hbm>>
    %dma_start3A_63 = tpu.memref_squeeze %dma_start3A_62 : memref<1x32x768xf32, #tpu.memory_space<hbm>> -> memref<32x768xf32, #tpu.memory_space<hbm>>
    tpu.enqueue_dma source(%arg6 : memref<32x768xf32, #tpu.memory_space<vmem>>) target(%dma_start3A_63 : memref<32x768xf32, #tpu.memory_space<hbm>>) target_semaphore(%arg12 : memref<!tpu.dma_semaphore, #tpu.memory_space<semaphore_mem>>)
    %dma_start3A_64 = arith.constant 128 : i32
    %dma_start3A_65 = tpu.memref_slice %arg5[%dma_start3A_64] : memref<512xi32, #tpu.memory_space<vmem>> -> memref<32xi32, #tpu.memory_space<vmem>>
    %dma_start3A_66 = arith.constant 0 : i32
    %dma_start3A_67 = arith.constant 0 : i32
    %dma_start3A_68 = tpu.memref_slice %arg2[%dma_start3A_66, %dma_start3A_67] : memref<30522x768xf32, #tpu.memory_space<hbm>> -> memref<30522x768xf32, #tpu.memory_space<hbm>>
    tpu.enqueue_indirect_dma source(%dma_start3A_68 : memref<30522x768xf32, #tpu.memory_space<hbm>>) target(%arg10 : memref<32x768xf32, #tpu.memory_space<vmem>>) offsets(%dma_start3A_65 : memref<32xi32, #tpu.memory_space<vmem>>) semaphore(%arg11 : memref<!tpu.dma_semaphore, #tpu.memory_space<semaphore_mem>>)
    %dma_wait3A_69 = arith.constant 32 : i32
    %dma_wait3A_70 = tpu.memref_slice %arg5[%dma_wait3A_69] : memref<512xi32, #tpu.memory_space<vmem>> -> memref<32xi32, #tpu.memory_space<vmem>>
    %dma_wait3A_71 = arith.constant 0 : i32
    %dma_wait3A_72 = arith.constant 0 : i32
    %dma_wait3A_73 = tpu.memref_slice %arg2[%dma_wait3A_71, %dma_wait3A_72] : memref<30522x768xf32, #tpu.memory_space<hbm>> -> memref<30522x768xf32, #tpu.memory_space<hbm>>
    tpu.wait_indirect_dma semaphore(%arg11 : memref<!tpu.dma_semaphore, #tpu.memory_space<semaphore_mem>>) src(%dma_wait3A_73 : memref<30522x768xf32, #tpu.memory_space<hbm>>) dst(%arg7 : memref<32x768xf32, #tpu.memory_space<vmem>>)
    %add3A_74 = arith.constant 32 : i32
    %add3A_75 = arith.addi %select_n3A_32, %add3A_74 : i32
    %dma_start3A_76 = arith.constant 0 : i32
    %dma_start3A_77 = tpu.memref_slice %arg4[%select_n3A, %add3A_75, %dma_start3A_76] : memref<4x4096x768xf32, #tpu.memory_space<hbm>> -> memref<1x32x768xf32, #tpu.memory_space<hbm>>
    %dma_start3A_78 = tpu.memref_squeeze %dma_start3A_77 : memref<1x32x768xf32, #tpu.memory_space<hbm>> -> memref<32x768xf32, #tpu.memory_space<hbm>>
    %dma_start3A_79 = arith.constant 0 : i32
    %dma_start3A_80 = tpu.memref_slice %arg4[%select_n3A, %add3A_75, %dma_start3A_79] : memref<4x4096x768xf32, #tpu.memory_space<hbm>> -> memref<1x32x768xf32, #tpu.memory_space<hbm>>
    %dma_start3A_81 = tpu.memref_squeeze %dma_start3A_80 : memref<1x32x768xf32, #tpu.memory_space<hbm>> -> memref<32x768xf32, #tpu.memory_space<hbm>>
    tpu.enqueue_dma source(%arg7 : memref<32x768xf32, #tpu.memory_space<vmem>>) target(%dma_start3A_81 : memref<32x768xf32, #tpu.memory_space<hbm>>) target_semaphore(%arg12 : memref<!tpu.dma_semaphore, #tpu.memory_space<semaphore_mem>>)
    %dma_wait3A_82 = arith.constant 0 : i32
    %dma_wait3A_83 = tpu.memref_slice %arg4[%select_n3A, %add3A_57, %dma_wait3A_82] : memref<4x4096x768xf32, #tpu.memory_space<hbm>> -> memref<1x32x768xf32, #tpu.memory_space<hbm>>
    %dma_wait3A_84 = tpu.memref_squeeze %dma_wait3A_83 : memref<1x32x768xf32, #tpu.memory_space<hbm>> -> memref<32x768xf32, #tpu.memory_space<hbm>>
    %dma_wait3A_85 = arith.constant 0 : i32
    %dma_wait3A_86 = tpu.memref_slice %arg4[%select_n3A, %add3A_57, %dma_wait3A_85] : memref<4x4096x768xf32, #tpu.memory_space<hbm>> -> memref<1x32x768xf32, #tpu.memory_space<hbm>>
    %dma_wait3A_87 = tpu.memref_squeeze %dma_wait3A_86 : memref<1x32x768xf32, #tpu.memory_space<hbm>> -> memref<32x768xf32, #tpu.memory_space<hbm>>
    tpu.wait_dma2 semaphore(%arg12 : memref<!tpu.dma_semaphore, #tpu.memory_space<semaphore_mem>>) src(%arg6 : memref<32x768xf32, #tpu.memory_space<vmem>>) dst(%dma_wait3A_87 : memref<32x768xf32, #tpu.memory_space<hbm>>)
    %dma_start3A_88 = arith.constant 160 : i32
    %dma_start3A_89 = tpu.memref_slice %arg5[%dma_start3A_88] : memref<512xi32, #tpu.memory_space<vmem>> -> memref<32xi32, #tpu.memory_space<vmem>>
    %dma_start3A_90 = arith.constant 0 : i32
    %dma_start3A_91 = arith.constant 0 : i32
    %dma_start3A_92 = tpu.memref_slice %arg2[%dma_start3A_90, %dma_start3A_91] : memref<30522x768xf32, #tpu.memory_space<hbm>> -> memref<30522x768xf32, #tpu.memory_space<hbm>>
    tpu.enqueue_indirect_dma source(%dma_start3A_92 : memref<30522x768xf32, #tpu.memory_space<hbm>>) target(%arg6 : memref<32x768xf32, #tpu.memory_space<vmem>>) offsets(%dma_start3A_89 : memref<32xi32, #tpu.memory_space<vmem>>) semaphore(%arg11 : memref<!tpu.dma_semaphore, #tpu.memory_space<semaphore_mem>>)
    %dma_wait3A_93 = arith.constant 64 : i32
    %dma_wait3A_94 = tpu.memref_slice %arg5[%dma_wait3A_93] : memref<512xi32, #tpu.memory_space<vmem>> -> memref<32xi32, #tpu.memory_space<vmem>>
    %dma_wait3A_95 = arith.constant 0 : i32
    %dma_wait3A_96 = arith.constant 0 : i32
    %dma_wait3A_97 = tpu.memref_slice %arg2[%dma_wait3A_95, %dma_wait3A_96] : memref<30522x768xf32, #tpu.memory_space<hbm>> -> memref<30522x768xf32, #tpu.memory_space<hbm>>
    tpu.wait_indirect_dma semaphore(%arg11 : memref<!tpu.dma_semaphore, #tpu.memory_space<semaphore_mem>>) src(%dma_wait3A_97 : memref<30522x768xf32, #tpu.memory_space<hbm>>) dst(%arg8 : memref<32x768xf32, #tpu.memory_space<vmem>>)
    %add3A_98 = arith.constant 64 : i32
    %add3A_99 = arith.addi %select_n3A_32, %add3A_98 : i32
    %dma_start3A_100 = arith.constant 0 : i32
    %dma_start3A_101 = tpu.memref_slice %arg4[%select_n3A, %add3A_99, %dma_start3A_100] : memref<4x4096x768xf32, #tpu.memory_space<hbm>> -> memref<1x32x768xf32, #tpu.memory_space<hbm>>
    %dma_start3A_102 = tpu.memref_squeeze %dma_start3A_101 : memref<1x32x768xf32, #tpu.memory_space<hbm>> -> memref<32x768xf32, #tpu.memory_space<hbm>>
    %dma_start3A_103 = arith.constant 0 : i32
    %dma_start3A_104 = tpu.memref_slice %arg4[%select_n3A, %add3A_99, %dma_start3A_103] : memref<4x4096x768xf32, #tpu.memory_space<hbm>> -> memref<1x32x768xf32, #tpu.memory_space<hbm>>
    %dma_start3A_105 = tpu.memref_squeeze %dma_start3A_104 : memref<1x32x768xf32, #tpu.memory_space<hbm>> -> memref<32x768xf32, #tpu.memory_space<hbm>>
    tpu.enqueue_dma source(%arg8 : memref<32x768xf32, #tpu.memory_space<vmem>>) target(%dma_start3A_105 : memref<32x768xf32, #tpu.memory_space<hbm>>) target_semaphore(%arg12 : memref<!tpu.dma_semaphore, #tpu.memory_space<semaphore_mem>>)
    %dma_wait3A_106 = arith.constant 0 : i32
    %dma_wait3A_107 = tpu.memref_slice %arg4[%select_n3A, %add3A_75, %dma_wait3A_106] : memref<4x4096x768xf32, #tpu.memory_space<hbm>> -> memref<1x32x768xf32, #tpu.memory_space<hbm>>
    %dma_wait3A_108 = tpu.memref_squeeze %dma_wait3A_107 : memref<1x32x768xf32, #tpu.memory_space<hbm>> -> memref<32x768xf32, #tpu.memory_space<hbm>>
    %dma_wait3A_109 = arith.constant 0 : i32
    %dma_wait3A_110 = tpu.memref_slice %arg4[%select_n3A, %add3A_75, %dma_wait3A_109] : memref<4x4096x768xf32, #tpu.memory_space<hbm>> -> memref<1x32x768xf32, #tpu.memory_space<hbm>>
    %dma_wait3A_111 = tpu.memref_squeeze %dma_wait3A_110 : memref<1x32x768xf32, #tpu.memory_space<hbm>> -> memref<32x768xf32, #tpu.memory_space<hbm>>
    tpu.wait_dma2 semaphore(%arg12 : memref<!tpu.dma_semaphore, #tpu.memory_space<semaphore_mem>>) src(%arg7 : memref<32x768xf32, #tpu.memory_space<vmem>>) dst(%dma_wait3A_111 : memref<32x768xf32, #tpu.memory_space<hbm>>)
    %dma_start3A_112 = arith.constant 192 : i32
    %dma_start3A_113 = tpu.memref_slice %arg5[%dma_start3A_112] : memref<512xi32, #tpu.memory_space<vmem>> -> memref<32xi32, #tpu.memory_space<vmem>>
    %dma_start3A_114 = arith.constant 0 : i32
    %dma_start3A_115 = arith.constant 0 : i32
    %dma_start3A_116 = tpu.memref_slice %arg2[%dma_start3A_114, %dma_start3A_115] : memref<30522x768xf32, #tpu.memory_space<hbm>> -> memref<30522x768xf32, #tpu.memory_space<hbm>>
    tpu.enqueue_indirect_dma source(%dma_start3A_116 : memref<30522x768xf32, #tpu.memory_space<hbm>>) target(%arg7 : memref<32x768xf32, #tpu.memory_space<vmem>>) offsets(%dma_start3A_113 : memref<32xi32, #tpu.memory_space<vmem>>) semaphore(%arg11 : memref<!tpu.dma_semaphore, #tpu.memory_space<semaphore_mem>>)
    %dma_wait3A_117 = arith.constant 96 : i32
    %dma_wait3A_118 = tpu.memref_slice %arg5[%dma_wait3A_117] : memref<512xi32, #tpu.memory_space<vmem>> -> memref<32xi32, #tpu.memory_space<vmem>>
    %dma_wait3A_119 = arith.constant 0 : i32
    %dma_wait3A_120 = arith.constant 0 : i32
    %dma_wait3A_121 = tpu.memref_slice %arg2[%dma_wait3A_119, %dma_wait3A_120] : memref<30522x768xf32, #tpu.memory_space<hbm>> -> memref<30522x768xf32, #tpu.memory_space<hbm>>
    tpu.wait_indirect_dma semaphore(%arg11 : memref<!tpu.dma_semaphore, #tpu.memory_space<semaphore_mem>>) src(%dma_wait3A_121 : memref<30522x768xf32, #tpu.memory_space<hbm>>) dst(%arg9 : memref<32x768xf32, #tpu.memory_space<vmem>>)
    %add3A_122 = arith.constant 96 : i32
    %add3A_123 = arith.addi %select_n3A_32, %add3A_122 : i32
    %dma_start3A_124 = arith.constant 0 : i32
    %dma_start3A_125 = tpu.memref_slice %arg4[%select_n3A, %add3A_123, %dma_start3A_124] : memref<4x4096x768xf32, #tpu.memory_space<hbm>> -> memref<1x32x768xf32, #tpu.memory_space<hbm>>
    %dma_start3A_126 = tpu.memref_squeeze %dma_start3A_125 : memref<1x32x768xf32, #tpu.memory_space<hbm>> -> memref<32x768xf32, #tpu.memory_space<hbm>>
    %dma_start3A_127 = arith.constant 0 : i32
    %dma_start3A_128 = tpu.memref_slice %arg4[%select_n3A, %add3A_123, %dma_start3A_127] : memref<4x4096x768xf32, #tpu.memory_space<hbm>> -> memref<1x32x768xf32, #tpu.memory_space<hbm>>
    %dma_start3A_129 = tpu.memref_squeeze %dma_start3A_128 : memref<1x32x768xf32, #tpu.memory_space<hbm>> -> memref<32x768xf32, #tpu.memory_space<hbm>>
    tpu.enqueue_dma source(%arg9 : memref<32x768xf32, #tpu.memory_space<vmem>>) target(%dma_start3A_129 : memref<32x768xf32, #tpu.memory_space<hbm>>) target_semaphore(%arg12 : memref<!tpu.dma_semaphore, #tpu.memory_space<semaphore_mem>>)
    %dma_wait3A_130 = arith.constant 0 : i32
    %dma_wait3A_131 = tpu.memref_slice %arg4[%select_n3A, %add3A_99, %dma_wait3A_130] : memref<4x4096x768xf32, #tpu.memory_space<hbm>> -> memref<1x32x768xf32, #tpu.memory_space<hbm>>
    %dma_wait3A_132 = tpu.memref_squeeze %dma_wait3A_131 : memref<1x32x768xf32, #tpu.memory_space<hbm>> -> memref<32x768xf32, #tpu.memory_space<hbm>>
    %dma_wait3A_133 = arith.constant 0 : i32
    %dma_wait3A_134 = tpu.memref_slice %arg4[%select_n3A, %add3A_99, %dma_wait3A_133] : memref<4x4096x768xf32, #tpu.memory_space<hbm>> -> memref<1x32x768xf32, #tpu.memory_space<hbm>>
    %dma_wait3A_135 = tpu.memref_squeeze %dma_wait3A_134 : memref<1x32x768xf32, #tpu.memory_space<hbm>> -> memref<32x768xf32, #tpu.memory_space<hbm>>
    tpu.wait_dma2 semaphore(%arg12 : memref<!tpu.dma_semaphore, #tpu.memory_space<semaphore_mem>>) src(%arg8 : memref<32x768xf32, #tpu.memory_space<vmem>>) dst(%dma_wait3A_135 : memref<32x768xf32, #tpu.memory_space<hbm>>)
    %dma_start3A_136 = arith.constant 224 : i32
    %dma_start3A_137 = tpu.memref_slice %arg5[%dma_start3A_136] : memref<512xi32, #tpu.memory_space<vmem>> -> memref<32xi32, #tpu.memory_space<vmem>>
    %dma_start3A_138 = arith.constant 0 : i32
    %dma_start3A_139 = arith.constant 0 : i32
    %dma_start3A_140 = tpu.memref_slice %arg2[%dma_start3A_138, %dma_start3A_139] : memref<30522x768xf32, #tpu.memory_space<hbm>> -> memref<30522x768xf32, #tpu.memory_space<hbm>>
    tpu.enqueue_indirect_dma source(%dma_start3A_140 : memref<30522x768xf32, #tpu.memory_space<hbm>>) target(%arg8 : memref<32x768xf32, #tpu.memory_space<vmem>>) offsets(%dma_start3A_137 : memref<32xi32, #tpu.memory_space<vmem>>) semaphore(%arg11 : memref<!tpu.dma_semaphore, #tpu.memory_space<semaphore_mem>>)
    %dma_wait3A_141 = arith.constant 128 : i32
    %dma_wait3A_142 = tpu.memref_slice %arg5[%dma_wait3A_141] : memref<512xi32, #tpu.memory_space<vmem>> -> memref<32xi32, #tpu.memory_space<vmem>>
    %dma_wait3A_143 = arith.constant 0 : i32
    %dma_wait3A_144 = arith.constant 0 : i32
    %dma_wait3A_145 = tpu.memref_slice %arg2[%dma_wait3A_143, %dma_wait3A_144] : memref<30522x768xf32, #tpu.memory_space<hbm>> -> memref<30522x768xf32, #tpu.memory_space<hbm>>
    tpu.wait_indirect_dma semaphore(%arg11 : memref<!tpu.dma_semaphore, #tpu.memory_space<semaphore_mem>>) src(%dma_wait3A_145 : memref<30522x768xf32, #tpu.memory_space<hbm>>) dst(%arg10 : memref<32x768xf32, #tpu.memory_space<vmem>>)
    %add3A_146 = arith.constant 128 : i32
    %add3A_147 = arith.addi %select_n3A_32, %add3A_146 : i32
    %dma_start3A_148 = arith.constant 0 : i32
    %dma_start3A_149 = tpu.memref_slice %arg4[%select_n3A, %add3A_147, %dma_start3A_148] : memref<4x4096x768xf32, #tpu.memory_space<hbm>> -> memref<1x32x768xf32, #tpu.memory_space<hbm>>
    %dma_start3A_150 = tpu.memref_squeeze %dma_start3A_149 : memref<1x32x768xf32, #tpu.memory_space<hbm>> -> memref<32x768xf32, #tpu.memory_space<hbm>>
    %dma_start3A_151 = arith.constant 0 : i32
    %dma_start3A_152 = tpu.memref_slice %arg4[%select_n3A, %add3A_147, %dma_start3A_151] : memref<4x4096x768xf32, #tpu.memory_space<hbm>> -> memref<1x32x768xf32, #tpu.memory_space<hbm>>
    %dma_start3A_153 = tpu.memref_squeeze %dma_start3A_152 : memref<1x32x768xf32, #tpu.memory_space<hbm>> -> memref<32x768xf32, #tpu.memory_space<hbm>>
    tpu.enqueue_dma source(%arg10 : memref<32x768xf32, #tpu.memory_space<vmem>>) target(%dma_start3A_153 : memref<32x768xf32, #tpu.memory_space<hbm>>) target_semaphore(%arg12 : memref<!tpu.dma_semaphore, #tpu.memory_space<semaphore_mem>>)
    %dma_wait3A_154 = arith.constant 0 : i32
    %dma_wait3A_155 = tpu.memref_slice %arg4[%select_n3A, %add3A_123, %dma_wait3A_154] : memref<4x4096x768xf32, #tpu.memory_space<hbm>> -> memref<1x32x768xf32, #tpu.memory_space<hbm>>
    %dma_wait3A_156 = tpu.memref_squeeze %dma_wait3A_155 : memref<1x32x768xf32, #tpu.memory_space<hbm>> -> memref<32x768xf32, #tpu.memory_space<hbm>>
    %dma_wait3A_157 = arith.constant 0 : i32
    %dma_wait3A_158 = tpu.memref_slice %arg4[%select_n3A, %add3A_123, %dma_wait3A_157] : memref<4x4096x768xf32, #tpu.memory_space<hbm>> -> memref<1x32x768xf32, #tpu.memory_space<hbm>>
    %dma_wait3A_159 = tpu.memref_squeeze %dma_wait3A_158 : memref<1x32x768xf32, #tpu.memory_space<hbm>> -> memref<32x768xf32, #tpu.memory_space<hbm>>
    tpu.wait_dma2 semaphore(%arg12 : memref<!tpu.dma_semaphore, #tpu.memory_space<semaphore_mem>>) src(%arg9 : memref<32x768xf32, #tpu.memory_space<vmem>>) dst(%dma_wait3A_159 : memref<32x768xf32, #tpu.memory_space<hbm>>)
    %dma_start3A_160 = arith.constant 256 : i32
    %dma_start3A_161 = tpu.memref_slice %arg5[%dma_start3A_160] : memref<512xi32, #tpu.memory_space<vmem>> -> memref<32xi32, #tpu.memory_space<vmem>>
    %dma_start3A_162 = arith.constant 0 : i32
    %dma_start3A_163 = arith.constant 0 : i32
    %dma_start3A_164 = tpu.memref_slice %arg2[%dma_start3A_162, %dma_start3A_163] : memref<30522x768xf32, #tpu.memory_space<hbm>> -> memref<30522x768xf32, #tpu.memory_space<hbm>>
    tpu.enqueue_indirect_dma source(%dma_start3A_164 : memref<30522x768xf32, #tpu.memory_space<hbm>>) target(%arg9 : memref<32x768xf32, #tpu.memory_space<vmem>>) offsets(%dma_start3A_161 : memref<32xi32, #tpu.memory_space<vmem>>) semaphore(%arg11 : memref<!tpu.dma_semaphore, #tpu.memory_space<semaphore_mem>>)
    %dma_wait3A_165 = arith.constant 160 : i32
    %dma_wait3A_166 = tpu.memref_slice %arg5[%dma_wait3A_165] : memref<512xi32, #tpu.memory_space<vmem>> -> memref<32xi32, #tpu.memory_space<vmem>>
    %dma_wait3A_167 = arith.constant 0 : i32
    %dma_wait3A_168 = arith.constant 0 : i32
    %dma_wait3A_169 = tpu.memref_slice %arg2[%dma_wait3A_167, %dma_wait3A_168] : memref<30522x768xf32, #tpu.memory_space<hbm>> -> memref<30522x768xf32, #tpu.memory_space<hbm>>
    tpu.wait_indirect_dma semaphore(%arg11 : memref<!tpu.dma_semaphore, #tpu.memory_space<semaphore_mem>>) src(%dma_wait3A_169 : memref<30522x768xf32, #tpu.memory_space<hbm>>) dst(%arg6 : memref<32x768xf32, #tpu.memory_space<vmem>>)
    %add3A_170 = arith.constant 160 : i32
    %add3A_171 = arith.addi %select_n3A_32, %add3A_170 : i32
    %dma_start3A_172 = arith.constant 0 : i32
    %dma_start3A_173 = tpu.memref_slice %arg4[%select_n3A, %add3A_171, %dma_start3A_172] : memref<4x4096x768xf32, #tpu.memory_space<hbm>> -> memref<1x32x768xf32, #tpu.memory_space<hbm>>
    %dma_start3A_174 = tpu.memref_squeeze %dma_start3A_173 : memref<1x32x768xf32, #tpu.memory_space<hbm>> -> memref<32x768xf32, #tpu.memory_space<hbm>>
    %dma_start3A_175 = arith.constant 0 : i32
    %dma_start3A_176 = tpu.memref_slice %arg4[%select_n3A, %add3A_171, %dma_start3A_175] : memref<4x4096x768xf32, #tpu.memory_space<hbm>> -> memref<1x32x768xf32, #tpu.memory_space<hbm>>
    %dma_start3A_177 = tpu.memref_squeeze %dma_start3A_176 : memref<1x32x768xf32, #tpu.memory_space<hbm>> -> memref<32x768xf32, #tpu.memory_space<hbm>>
    tpu.enqueue_dma source(%arg6 : memref<32x768xf32, #tpu.memory_space<vmem>>) target(%dma_start3A_177 : memref<32x768xf32, #tpu.memory_space<hbm>>) target_semaphore(%arg12 : memref<!tpu.dma_semaphore, #tpu.memory_space<semaphore_mem>>)
    %dma_wait3A_178 = arith.constant 0 : i32
    %dma_wait3A_179 = tpu.memref_slice %arg4[%select_n3A, %add3A_147, %dma_wait3A_178] : memref<4x4096x768xf32, #tpu.memory_space<hbm>> -> memref<1x32x768xf32, #tpu.memory_space<hbm>>
    %dma_wait3A_180 = tpu.memref_squeeze %dma_wait3A_179 : memref<1x32x768xf32, #tpu.memory_space<hbm>> -> memref<32x768xf32, #tpu.memory_space<hbm>>
    %dma_wait3A_181 = arith.constant 0 : i32
    %dma_wait3A_182 = tpu.memref_slice %arg4[%select_n3A, %add3A_147, %dma_wait3A_181] : memref<4x4096x768xf32, #tpu.memory_space<hbm>> -> memref<1x32x768xf32, #tpu.memory_space<hbm>>
    %dma_wait3A_183 = tpu.memref_squeeze %dma_wait3A_182 : memref<1x32x768xf32, #tpu.memory_space<hbm>> -> memref<32x768xf32, #tpu.memory_space<hbm>>
    tpu.wait_dma2 semaphore(%arg12 : memref<!tpu.dma_semaphore, #tpu.memory_space<semaphore_mem>>) src(%arg10 : memref<32x768xf32, #tpu.memory_space<vmem>>) dst(%dma_wait3A_183 : memref<32x768xf32, #tpu.memory_space<hbm>>)
    %dma_start3A_184 = arith.constant 288 : i32
    %dma_start3A_185 = tpu.memref_slice %arg5[%dma_start3A_184] : memref<512xi32, #tpu.memory_space<vmem>> -> memref<32xi32, #tpu.memory_space<vmem>>
    %dma_start3A_186 = arith.constant 0 : i32
    %dma_start3A_187 = arith.constant 0 : i32
    %dma_start3A_188 = tpu.memref_slice %arg2[%dma_start3A_186, %dma_start3A_187] : memref<30522x768xf32, #tpu.memory_space<hbm>> -> memref<30522x768xf32, #tpu.memory_space<hbm>>
    tpu.enqueue_indirect_dma source(%dma_start3A_188 : memref<30522x768xf32, #tpu.memory_space<hbm>>) target(%arg10 : memref<32x768xf32, #tpu.memory_space<vmem>>) offsets(%dma_start3A_185 : memref<32xi32, #tpu.memory_space<vmem>>) semaphore(%arg11 : memref<!tpu.dma_semaphore, #tpu.memory_space<semaphore_mem>>)
    %dma_wait3A_189 = arith.constant 192 : i32
    %dma_wait3A_190 = tpu.memref_slice %arg5[%dma_wait3A_189] : memref<512xi32, #tpu.memory_space<vmem>> -> memref<32xi32, #tpu.memory_space<vmem>>
    %dma_wait3A_191 = arith.constant 0 : i32
    %dma_wait3A_192 = arith.constant 0 : i32
    %dma_wait3A_193 = tpu.memref_slice %arg2[%dma_wait3A_191, %dma_wait3A_192] : memref<30522x768xf32, #tpu.memory_space<hbm>> -> memref<30522x768xf32, #tpu.memory_space<hbm>>
    tpu.wait_indirect_dma semaphore(%arg11 : memref<!tpu.dma_semaphore, #tpu.memory_space<semaphore_mem>>) src(%dma_wait3A_193 : memref<30522x768xf32, #tpu.memory_space<hbm>>) dst(%arg7 : memref<32x768xf32, #tpu.memory_space<vmem>>)
    %add3A_194 = arith.constant 192 : i32
    %add3A_195 = arith.addi %select_n3A_32, %add3A_194 : i32
    %dma_start3A_196 = arith.constant 0 : i32
    %dma_start3A_197 = tpu.memref_slice %arg4[%select_n3A, %add3A_195, %dma_start3A_196] : memref<4x4096x768xf32, #tpu.memory_space<hbm>> -> memref<1x32x768xf32, #tpu.memory_space<hbm>>
    %dma_start3A_198 = tpu.memref_squeeze %dma_start3A_197 : memref<1x32x768xf32, #tpu.memory_space<hbm>> -> memref<32x768xf32, #tpu.memory_space<hbm>>
    %dma_start3A_199 = arith.constant 0 : i32
    %dma_start3A_200 = tpu.memref_slice %arg4[%select_n3A, %add3A_195, %dma_start3A_199] : memref<4x4096x768xf32, #tpu.memory_space<hbm>> -> memref<1x32x768xf32, #tpu.memory_space<hbm>>
    %dma_start3A_201 = tpu.memref_squeeze %dma_start3A_200 : memref<1x32x768xf32, #tpu.memory_space<hbm>> -> memref<32x768xf32, #tpu.memory_space<hbm>>
    tpu.enqueue_dma source(%arg7 : memref<32x768xf32, #tpu.memory_space<vmem>>) target(%dma_start3A_201 : memref<32x768xf32, #tpu.memory_space<hbm>>) target_semaphore(%arg12 : memref<!tpu.dma_semaphore, #tpu.memory_space<semaphore_mem>>)
    %dma_wait3A_202 = arith.constant 0 : i32
    %dma_wait3A_203 = tpu.memref_slice %arg4[%select_n3A, %add3A_171, %dma_wait3A_202] : memref<4x4096x768xf32, #tpu.memory_space<hbm>> -> memref<1x32x768xf32, #tpu.memory_space<hbm>>
    %dma_wait3A_204 = tpu.memref_squeeze %dma_wait3A_203 : memref<1x32x768xf32, #tpu.memory_space<hbm>> -> memref<32x768xf32, #tpu.memory_space<hbm>>
    %dma_wait3A_205 = arith.constant 0 : i32
    %dma_wait3A_206 = tpu.memref_slice %arg4[%select_n3A, %add3A_171, %dma_wait3A_205] : memref<4x4096x768xf32, #tpu.memory_space<hbm>> -> memref<1x32x768xf32, #tpu.memory_space<hbm>>
    %dma_wait3A_207 = tpu.memref_squeeze %dma_wait3A_206 : memref<1x32x768xf32, #tpu.memory_space<hbm>> -> memref<32x768xf32, #tpu.memory_space<hbm>>
    tpu.wait_dma2 semaphore(%arg12 : memref<!tpu.dma_semaphore, #tpu.memory_space<semaphore_mem>>) src(%arg6 : memref<32x768xf32, #tpu.memory_space<vmem>>) dst(%dma_wait3A_207 : memref<32x768xf32, #tpu.memory_space<hbm>>)
    %dma_start3A_208 = arith.constant 320 : i32
    %dma_start3A_209 = tpu.memref_slice %arg5[%dma_start3A_208] : memref<512xi32, #tpu.memory_space<vmem>> -> memref<32xi32, #tpu.memory_space<vmem>>
    %dma_start3A_210 = arith.constant 0 : i32
    %dma_start3A_211 = arith.constant 0 : i32
    %dma_start3A_212 = tpu.memref_slice %arg2[%dma_start3A_210, %dma_start3A_211] : memref<30522x768xf32, #tpu.memory_space<hbm>> -> memref<30522x768xf32, #tpu.memory_space<hbm>>
    tpu.enqueue_indirect_dma source(%dma_start3A_212 : memref<30522x768xf32, #tpu.memory_space<hbm>>) target(%arg6 : memref<32x768xf32, #tpu.memory_space<vmem>>) offsets(%dma_start3A_209 : memref<32xi32, #tpu.memory_space<vmem>>) semaphore(%arg11 : memref<!tpu.dma_semaphore, #tpu.memory_space<semaphore_mem>>)
    %dma_wait3A_213 = arith.constant 224 : i32
    %dma_wait3A_214 = tpu.memref_slice %arg5[%dma_wait3A_213] : memref<512xi32, #tpu.memory_space<vmem>> -> memref<32xi32, #tpu.memory_space<vmem>>
    %dma_wait3A_215 = arith.constant 0 : i32
    %dma_wait3A_216 = arith.constant 0 : i32
    %dma_wait3A_217 = tpu.memref_slice %arg2[%dma_wait3A_215, %dma_wait3A_216] : memref<30522x768xf32, #tpu.memory_space<hbm>> -> memref<30522x768xf32, #tpu.memory_space<hbm>>
    tpu.wait_indirect_dma semaphore(%arg11 : memref<!tpu.dma_semaphore, #tpu.memory_space<semaphore_mem>>) src(%dma_wait3A_217 : memref<30522x768xf32, #tpu.memory_space<hbm>>) dst(%arg8 : memref<32x768xf32, #tpu.memory_space<vmem>>)
    %add3A_218 = arith.constant 224 : i32
    %add3A_219 = arith.addi %select_n3A_32, %add3A_218 : i32
    %dma_start3A_220 = arith.constant 0 : i32
    %dma_start3A_221 = tpu.memref_slice %arg4[%select_n3A, %add3A_219, %dma_start3A_220] : memref<4x4096x768xf32, #tpu.memory_space<hbm>> -> memref<1x32x768xf32, #tpu.memory_space<hbm>>
    %dma_start3A_222 = tpu.memref_squeeze %dma_start3A_221 : memref<1x32x768xf32, #tpu.memory_space<hbm>> -> memref<32x768xf32, #tpu.memory_space<hbm>>
    %dma_start3A_223 = arith.constant 0 : i32
    %dma_start3A_224 = tpu.memref_slice %arg4[%select_n3A, %add3A_219, %dma_start3A_223] : memref<4x4096x768xf32, #tpu.memory_space<hbm>> -> memref<1x32x768xf32, #tpu.memory_space<hbm>>
    %dma_start3A_225 = tpu.memref_squeeze %dma_start3A_224 : memref<1x32x768xf32, #tpu.memory_space<hbm>> -> memref<32x768xf32, #tpu.memory_space<hbm>>
    tpu.enqueue_dma source(%arg8 : memref<32x768xf32, #tpu.memory_space<vmem>>) target(%dma_start3A_225 : memref<32x768xf32, #tpu.memory_space<hbm>>) target_semaphore(%arg12 : memref<!tpu.dma_semaphore, #tpu.memory_space<semaphore_mem>>)
    %dma_wait3A_226 = arith.constant 0 : i32
    %dma_wait3A_227 = tpu.memref_slice %arg4[%select_n3A, %add3A_195, %dma_wait3A_226] : memref<4x4096x768xf32, #tpu.memory_space<hbm>> -> memref<1x32x768xf32, #tpu.memory_space<hbm>>
    %dma_wait3A_228 = tpu.memref_squeeze %dma_wait3A_227 : memref<1x32x768xf32, #tpu.memory_space<hbm>> -> memref<32x768xf32, #tpu.memory_space<hbm>>
    %dma_wait3A_229 = arith.constant 0 : i32
    %dma_wait3A_230 = tpu.memref_slice %arg4[%select_n3A, %add3A_195, %dma_wait3A_229] : memref<4x4096x768xf32, #tpu.memory_space<hbm>> -> memref<1x32x768xf32, #tpu.memory_space<hbm>>
    %dma_wait3A_231 = tpu.memref_squeeze %dma_wait3A_230 : memref<1x32x768xf32, #tpu.memory_space<hbm>> -> memref<32x768xf32, #tpu.memory_space<hbm>>
    tpu.wait_dma2 semaphore(%arg12 : memref<!tpu.dma_semaphore, #tpu.memory_space<semaphore_mem>>) src(%arg7 : memref<32x768xf32, #tpu.memory_space<vmem>>) dst(%dma_wait3A_231 : memref<32x768xf32, #tpu.memory_space<hbm>>)
    %dma_start3A_232 = arith.constant 352 : i32
    %dma_start3A_233 = tpu.memref_slice %arg5[%dma_start3A_232] : memref<512xi32, #tpu.memory_space<vmem>> -> memref<32xi32, #tpu.memory_space<vmem>>
    %dma_start3A_234 = arith.constant 0 : i32
    %dma_start3A_235 = arith.constant 0 : i32
    %dma_start3A_236 = tpu.memref_slice %arg2[%dma_start3A_234, %dma_start3A_235] : memref<30522x768xf32, #tpu.memory_space<hbm>> -> memref<30522x768xf32, #tpu.memory_space<hbm>>
    tpu.enqueue_indirect_dma source(%dma_start3A_236 : memref<30522x768xf32, #tpu.memory_space<hbm>>) target(%arg7 : memref<32x768xf32, #tpu.memory_space<vmem>>) offsets(%dma_start3A_233 : memref<32xi32, #tpu.memory_space<vmem>>) semaphore(%arg11 : memref<!tpu.dma_semaphore, #tpu.memory_space<semaphore_mem>>)
    %dma_wait3A_237 = arith.constant 256 : i32
    %dma_wait3A_238 = tpu.memref_slice %arg5[%dma_wait3A_237] : memref<512xi32, #tpu.memory_space<vmem>> -> memref<32xi32, #tpu.memory_space<vmem>>
    %dma_wait3A_239 = arith.constant 0 : i32
    %dma_wait3A_240 = arith.constant 0 : i32
    %dma_wait3A_241 = tpu.memref_slice %arg2[%dma_wait3A_239, %dma_wait3A_240] : memref<30522x768xf32, #tpu.memory_space<hbm>> -> memref<30522x768xf32, #tpu.memory_space<hbm>>
    tpu.wait_indirect_dma semaphore(%arg11 : memref<!tpu.dma_semaphore, #tpu.memory_space<semaphore_mem>>) src(%dma_wait3A_241 : memref<30522x768xf32, #tpu.memory_space<hbm>>) dst(%arg9 : memref<32x768xf32, #tpu.memory_space<vmem>>)
    %add3A_242 = arith.constant 256 : i32
    %add3A_243 = arith.addi %select_n3A_32, %add3A_242 : i32
    %dma_start3A_244 = arith.constant 0 : i32
    %dma_start3A_245 = tpu.memref_slice %arg4[%select_n3A, %add3A_243, %dma_start3A_244] : memref<4x4096x768xf32, #tpu.memory_space<hbm>> -> memref<1x32x768xf32, #tpu.memory_space<hbm>>
    %dma_start3A_246 = tpu.memref_squeeze %dma_start3A_245 : memref<1x32x768xf32, #tpu.memory_space<hbm>> -> memref<32x768xf32, #tpu.memory_space<hbm>>
    %dma_start3A_247 = arith.constant 0 : i32
    %dma_start3A_248 = tpu.memref_slice %arg4[%select_n3A, %add3A_243, %dma_start3A_247] : memref<4x4096x768xf32, #tpu.memory_space<hbm>> -> memref<1x32x768xf32, #tpu.memory_space<hbm>>
    %dma_start3A_249 = tpu.memref_squeeze %dma_start3A_248 : memref<1x32x768xf32, #tpu.memory_space<hbm>> -> memref<32x768xf32, #tpu.memory_space<hbm>>
    tpu.enqueue_dma source(%arg9 : memref<32x768xf32, #tpu.memory_space<vmem>>) target(%dma_start3A_249 : memref<32x768xf32, #tpu.memory_space<hbm>>) target_semaphore(%arg12 : memref<!tpu.dma_semaphore, #tpu.memory_space<semaphore_mem>>)
    %dma_wait3A_250 = arith.constant 0 : i32
    %dma_wait3A_251 = tpu.memref_slice %arg4[%select_n3A, %add3A_219, %dma_wait3A_250] : memref<4x4096x768xf32, #tpu.memory_space<hbm>> -> memref<1x32x768xf32, #tpu.memory_space<hbm>>
    %dma_wait3A_252 = tpu.memref_squeeze %dma_wait3A_251 : memref<1x32x768xf32, #tpu.memory_space<hbm>> -> memref<32x768xf32, #tpu.memory_space<hbm>>
    %dma_wait3A_253 = arith.constant 0 : i32
    %dma_wait3A_254 = tpu.memref_slice %arg4[%select_n3A, %add3A_219, %dma_wait3A_253] : memref<4x4096x768xf32, #tpu.memory_space<hbm>> -> memref<1x32x768xf32, #tpu.memory_space<hbm>>
    %dma_wait3A_255 = tpu.memref_squeeze %dma_wait3A_254 : memref<1x32x768xf32, #tpu.memory_space<hbm>> -> memref<32x768xf32, #tpu.memory_space<hbm>>
    tpu.wait_dma2 semaphore(%arg12 : memref<!tpu.dma_semaphore, #tpu.memory_space<semaphore_mem>>) src(%arg8 : memref<32x768xf32, #tpu.memory_space<vmem>>) dst(%dma_wait3A_255 : memref<32x768xf32, #tpu.memory_space<hbm>>)
    %dma_start3A_256 = arith.constant 384 : i32
    %dma_start3A_257 = tpu.memref_slice %arg5[%dma_start3A_256] : memref<512xi32, #tpu.memory_space<vmem>> -> memref<32xi32, #tpu.memory_space<vmem>>
    %dma_start3A_258 = arith.constant 0 : i32
    %dma_start3A_259 = arith.constant 0 : i32
    %dma_start3A_260 = tpu.memref_slice %arg2[%dma_start3A_258, %dma_start3A_259] : memref<30522x768xf32, #tpu.memory_space<hbm>> -> memref<30522x768xf32, #tpu.memory_space<hbm>>
    tpu.enqueue_indirect_dma source(%dma_start3A_260 : memref<30522x768xf32, #tpu.memory_space<hbm>>) target(%arg8 : memref<32x768xf32, #tpu.memory_space<vmem>>) offsets(%dma_start3A_257 : memref<32xi32, #tpu.memory_space<vmem>>) semaphore(%arg11 : memref<!tpu.dma_semaphore, #tpu.memory_space<semaphore_mem>>)
    %dma_wait3A_261 = arith.constant 288 : i32
    %dma_wait3A_262 = tpu.memref_slice %arg5[%dma_wait3A_261] : memref<512xi32, #tpu.memory_space<vmem>> -> memref<32xi32, #tpu.memory_space<vmem>>
    %dma_wait3A_263 = arith.constant 0 : i32
    %dma_wait3A_264 = arith.constant 0 : i32
    %dma_wait3A_265 = tpu.memref_slice %arg2[%dma_wait3A_263, %dma_wait3A_264] : memref<30522x768xf32, #tpu.memory_space<hbm>> -> memref<30522x768xf32, #tpu.memory_space<hbm>>
    tpu.wait_indirect_dma semaphore(%arg11 : memref<!tpu.dma_semaphore, #tpu.memory_space<semaphore_mem>>) src(%dma_wait3A_265 : memref<30522x768xf32, #tpu.memory_space<hbm>>) dst(%arg10 : memref<32x768xf32, #tpu.memory_space<vmem>>)
    %add3A_266 = arith.constant 288 : i32
    %add3A_267 = arith.addi %select_n3A_32, %add3A_266 : i32
    %dma_start3A_268 = arith.constant 0 : i32
    %dma_start3A_269 = tpu.memref_slice %arg4[%select_n3A, %add3A_267, %dma_start3A_268] : memref<4x4096x768xf32, #tpu.memory_space<hbm>> -> memref<1x32x768xf32, #tpu.memory_space<hbm>>
    %dma_start3A_270 = tpu.memref_squeeze %dma_start3A_269 : memref<1x32x768xf32, #tpu.memory_space<hbm>> -> memref<32x768xf32, #tpu.memory_space<hbm>>
    %dma_start3A_271 = arith.constant 0 : i32
    %dma_start3A_272 = tpu.memref_slice %arg4[%select_n3A, %add3A_267, %dma_start3A_271] : memref<4x4096x768xf32, #tpu.memory_space<hbm>> -> memref<1x32x768xf32, #tpu.memory_space<hbm>>
    %dma_start3A_273 = tpu.memref_squeeze %dma_start3A_272 : memref<1x32x768xf32, #tpu.memory_space<hbm>> -> memref<32x768xf32, #tpu.memory_space<hbm>>
    tpu.enqueue_dma source(%arg10 : memref<32x768xf32, #tpu.memory_space<vmem>>) target(%dma_start3A_273 : memref<32x768xf32, #tpu.memory_space<hbm>>) target_semaphore(%arg12 : memref<!tpu.dma_semaphore, #tpu.memory_space<semaphore_mem>>)
    %dma_wait3A_274 = arith.constant 0 : i32
    %dma_wait3A_275 = tpu.memref_slice %arg4[%select_n3A, %add3A_243, %dma_wait3A_274] : memref<4x4096x768xf32, #tpu.memory_space<hbm>> -> memref<1x32x768xf32, #tpu.memory_space<hbm>>
    %dma_wait3A_276 = tpu.memref_squeeze %dma_wait3A_275 : memref<1x32x768xf32, #tpu.memory_space<hbm>> -> memref<32x768xf32, #tpu.memory_space<hbm>>
    %dma_wait3A_277 = arith.constant 0 : i32
    %dma_wait3A_278 = tpu.memref_slice %arg4[%select_n3A, %add3A_243, %dma_wait3A_277] : memref<4x4096x768xf32, #tpu.memory_space<hbm>> -> memref<1x32x768xf32, #tpu.memory_space<hbm>>
    %dma_wait3A_279 = tpu.memref_squeeze %dma_wait3A_278 : memref<1x32x768xf32, #tpu.memory_space<hbm>> -> memref<32x768xf32, #tpu.memory_space<hbm>>
    tpu.wait_dma2 semaphore(%arg12 : memref<!tpu.dma_semaphore, #tpu.memory_space<semaphore_mem>>) src(%arg9 : memref<32x768xf32, #tpu.memory_space<vmem>>) dst(%dma_wait3A_279 : memref<32x768xf32, #tpu.memory_space<hbm>>)
    %dma_start3A_280 = arith.constant 416 : i32
    %dma_start3A_281 = tpu.memref_slice %arg5[%dma_start3A_280] : memref<512xi32, #tpu.memory_space<vmem>> -> memref<32xi32, #tpu.memory_space<vmem>>
    %dma_start3A_282 = arith.constant 0 : i32
    %dma_start3A_283 = arith.constant 0 : i32
    %dma_start3A_284 = tpu.memref_slice %arg2[%dma_start3A_282, %dma_start3A_283] : memref<30522x768xf32, #tpu.memory_space<hbm>> -> memref<30522x768xf32, #tpu.memory_space<hbm>>
    tpu.enqueue_indirect_dma source(%dma_start3A_284 : memref<30522x768xf32, #tpu.memory_space<hbm>>) target(%arg9 : memref<32x768xf32, #tpu.memory_space<vmem>>) offsets(%dma_start3A_281 : memref<32xi32, #tpu.memory_space<vmem>>) semaphore(%arg11 : memref<!tpu.dma_semaphore, #tpu.memory_space<semaphore_mem>>)
    %dma_wait3A_285 = arith.constant 320 : i32
    %dma_wait3A_286 = tpu.memref_slice %arg5[%dma_wait3A_285] : memref<512xi32, #tpu.memory_space<vmem>> -> memref<32xi32, #tpu.memory_space<vmem>>
    %dma_wait3A_287 = arith.constant 0 : i32
    %dma_wait3A_288 = arith.constant 0 : i32
    %dma_wait3A_289 = tpu.memref_slice %arg2[%dma_wait3A_287, %dma_wait3A_288] : memref<30522x768xf32, #tpu.memory_space<hbm>> -> memref<30522x768xf32, #tpu.memory_space<hbm>>
    tpu.wait_indirect_dma semaphore(%arg11 : memref<!tpu.dma_semaphore, #tpu.memory_space<semaphore_mem>>) src(%dma_wait3A_289 : memref<30522x768xf32, #tpu.memory_space<hbm>>) dst(%arg6 : memref<32x768xf32, #tpu.memory_space<vmem>>)
    %add3A_290 = arith.constant 320 : i32
    %add3A_291 = arith.addi %select_n3A_32, %add3A_290 : i32
    %dma_start3A_292 = arith.constant 0 : i32
    %dma_start3A_293 = tpu.memref_slice %arg4[%select_n3A, %add3A_291, %dma_start3A_292] : memref<4x4096x768xf32, #tpu.memory_space<hbm>> -> memref<1x32x768xf32, #tpu.memory_space<hbm>>
    %dma_start3A_294 = tpu.memref_squeeze %dma_start3A_293 : memref<1x32x768xf32, #tpu.memory_space<hbm>> -> memref<32x768xf32, #tpu.memory_space<hbm>>
    %dma_start3A_295 = arith.constant 0 : i32
    %dma_start3A_296 = tpu.memref_slice %arg4[%select_n3A, %add3A_291, %dma_start3A_295] : memref<4x4096x768xf32, #tpu.memory_space<hbm>> -> memref<1x32x768xf32, #tpu.memory_space<hbm>>
    %dma_start3A_297 = tpu.memref_squeeze %dma_start3A_296 : memref<1x32x768xf32, #tpu.memory_space<hbm>> -> memref<32x768xf32, #tpu.memory_space<hbm>>
    tpu.enqueue_dma source(%arg6 : memref<32x768xf32, #tpu.memory_space<vmem>>) target(%dma_start3A_297 : memref<32x768xf32, #tpu.memory_space<hbm>>) target_semaphore(%arg12 : memref<!tpu.dma_semaphore, #tpu.memory_space<semaphore_mem>>)
    %dma_wait3A_298 = arith.constant 0 : i32
    %dma_wait3A_299 = tpu.memref_slice %arg4[%select_n3A, %add3A_267, %dma_wait3A_298] : memref<4x4096x768xf32, #tpu.memory_space<hbm>> -> memref<1x32x768xf32, #tpu.memory_space<hbm>>
    %dma_wait3A_300 = tpu.memref_squeeze %dma_wait3A_299 : memref<1x32x768xf32, #tpu.memory_space<hbm>> -> memref<32x768xf32, #tpu.memory_space<hbm>>
    %dma_wait3A_301 = arith.constant 0 : i32
    %dma_wait3A_302 = tpu.memref_slice %arg4[%select_n3A, %add3A_267, %dma_wait3A_301] : memref<4x4096x768xf32, #tpu.memory_space<hbm>> -> memref<1x32x768xf32, #tpu.memory_space<hbm>>
    %dma_wait3A_303 = tpu.memref_squeeze %dma_wait3A_302 : memref<1x32x768xf32, #tpu.memory_space<hbm>> -> memref<32x768xf32, #tpu.memory_space<hbm>>
    tpu.wait_dma2 semaphore(%arg12 : memref<!tpu.dma_semaphore, #tpu.memory_space<semaphore_mem>>) src(%arg10 : memref<32x768xf32, #tpu.memory_space<vmem>>) dst(%dma_wait3A_303 : memref<32x768xf32, #tpu.memory_space<hbm>>)
    %dma_start3A_304 = arith.constant 448 : i32
    %dma_start3A_305 = tpu.memref_slice %arg5[%dma_start3A_304] : memref<512xi32, #tpu.memory_space<vmem>> -> memref<32xi32, #tpu.memory_space<vmem>>
    %dma_start3A_306 = arith.constant 0 : i32
    %dma_start3A_307 = arith.constant 0 : i32
    %dma_start3A_308 = tpu.memref_slice %arg2[%dma_start3A_306, %dma_start3A_307] : memref<30522x768xf32, #tpu.memory_space<hbm>> -> memref<30522x768xf32, #tpu.memory_space<hbm>>
    tpu.enqueue_indirect_dma source(%dma_start3A_308 : memref<30522x768xf32, #tpu.memory_space<hbm>>) target(%arg10 : memref<32x768xf32, #tpu.memory_space<vmem>>) offsets(%dma_start3A_305 : memref<32xi32, #tpu.memory_space<vmem>>) semaphore(%arg11 : memref<!tpu.dma_semaphore, #tpu.memory_space<semaphore_mem>>)
    %dma_wait3A_309 = arith.constant 352 : i32
    %dma_wait3A_310 = tpu.memref_slice %arg5[%dma_wait3A_309] : memref<512xi32, #tpu.memory_space<vmem>> -> memref<32xi32, #tpu.memory_space<vmem>>
    %dma_wait3A_311 = arith.constant 0 : i32
    %dma_wait3A_312 = arith.constant 0 : i32
    %dma_wait3A_313 = tpu.memref_slice %arg2[%dma_wait3A_311, %dma_wait3A_312] : memref<30522x768xf32, #tpu.memory_space<hbm>> -> memref<30522x768xf32, #tpu.memory_space<hbm>>
    tpu.wait_indirect_dma semaphore(%arg11 : memref<!tpu.dma_semaphore, #tpu.memory_space<semaphore_mem>>) src(%dma_wait3A_313 : memref<30522x768xf32, #tpu.memory_space<hbm>>) dst(%arg7 : memref<32x768xf32, #tpu.memory_space<vmem>>)
    %add3A_314 = arith.constant 352 : i32
    %add3A_315 = arith.addi %select_n3A_32, %add3A_314 : i32
    %dma_start3A_316 = arith.constant 0 : i32
    %dma_start3A_317 = tpu.memref_slice %arg4[%select_n3A, %add3A_315, %dma_start3A_316] : memref<4x4096x768xf32, #tpu.memory_space<hbm>> -> memref<1x32x768xf32, #tpu.memory_space<hbm>>
    %dma_start3A_318 = tpu.memref_squeeze %dma_start3A_317 : memref<1x32x768xf32, #tpu.memory_space<hbm>> -> memref<32x768xf32, #tpu.memory_space<hbm>>
    %dma_start3A_319 = arith.constant 0 : i32
    %dma_start3A_320 = tpu.memref_slice %arg4[%select_n3A, %add3A_315, %dma_start3A_319] : memref<4x4096x768xf32, #tpu.memory_space<hbm>> -> memref<1x32x768xf32, #tpu.memory_space<hbm>>
    %dma_start3A_321 = tpu.memref_squeeze %dma_start3A_320 : memref<1x32x768xf32, #tpu.memory_space<hbm>> -> memref<32x768xf32, #tpu.memory_space<hbm>>
    tpu.enqueue_dma source(%arg7 : memref<32x768xf32, #tpu.memory_space<vmem>>) target(%dma_start3A_321 : memref<32x768xf32, #tpu.memory_space<hbm>>) target_semaphore(%arg12 : memref<!tpu.dma_semaphore, #tpu.memory_space<semaphore_mem>>)
    %dma_wait3A_322 = arith.constant 0 : i32
    %dma_wait3A_323 = tpu.memref_slice %arg4[%select_n3A, %add3A_291, %dma_wait3A_322] : memref<4x4096x768xf32, #tpu.memory_space<hbm>> -> memref<1x32x768xf32, #tpu.memory_space<hbm>>
    %dma_wait3A_324 = tpu.memref_squeeze %dma_wait3A_323 : memref<1x32x768xf32, #tpu.memory_space<hbm>> -> memref<32x768xf32, #tpu.memory_space<hbm>>
    %dma_wait3A_325 = arith.constant 0 : i32
    %dma_wait3A_326 = tpu.memref_slice %arg4[%select_n3A, %add3A_291, %dma_wait3A_325] : memref<4x4096x768xf32, #tpu.memory_space<hbm>> -> memref<1x32x768xf32, #tpu.memory_space<hbm>>
    %dma_wait3A_327 = tpu.memref_squeeze %dma_wait3A_326 : memref<1x32x768xf32, #tpu.memory_space<hbm>> -> memref<32x768xf32, #tpu.memory_space<hbm>>
    tpu.wait_dma2 semaphore(%arg12 : memref<!tpu.dma_semaphore, #tpu.memory_space<semaphore_mem>>) src(%arg6 : memref<32x768xf32, #tpu.memory_space<vmem>>) dst(%dma_wait3A_327 : memref<32x768xf32, #tpu.memory_space<hbm>>)
    %dma_start3A_328 = arith.constant 480 : i32
    %dma_start3A_329 = tpu.memref_slice %arg5[%dma_start3A_328] : memref<512xi32, #tpu.memory_space<vmem>> -> memref<32xi32, #tpu.memory_space<vmem>>
    %dma_start3A_330 = arith.constant 0 : i32
    %dma_start3A_331 = arith.constant 0 : i32
    %dma_start3A_332 = tpu.memref_slice %arg2[%dma_start3A_330, %dma_start3A_331] : memref<30522x768xf32, #tpu.memory_space<hbm>> -> memref<30522x768xf32, #tpu.memory_space<hbm>>
    tpu.enqueue_indirect_dma source(%dma_start3A_332 : memref<30522x768xf32, #tpu.memory_space<hbm>>) target(%arg6 : memref<32x768xf32, #tpu.memory_space<vmem>>) offsets(%dma_start3A_329 : memref<32xi32, #tpu.memory_space<vmem>>) semaphore(%arg11 : memref<!tpu.dma_semaphore, #tpu.memory_space<semaphore_mem>>)
    %dma_wait3A_333 = arith.constant 384 : i32
    %dma_wait3A_334 = tpu.memref_slice %arg5[%dma_wait3A_333] : memref<512xi32, #tpu.memory_space<vmem>> -> memref<32xi32, #tpu.memory_space<vmem>>
    %dma_wait3A_335 = arith.constant 0 : i32
    %dma_wait3A_336 = arith.constant 0 : i32
    %dma_wait3A_337 = tpu.memref_slice %arg2[%dma_wait3A_335, %dma_wait3A_336] : memref<30522x768xf32, #tpu.memory_space<hbm>> -> memref<30522x768xf32, #tpu.memory_space<hbm>>
    tpu.wait_indirect_dma semaphore(%arg11 : memref<!tpu.dma_semaphore, #tpu.memory_space<semaphore_mem>>) src(%dma_wait3A_337 : memref<30522x768xf32, #tpu.memory_space<hbm>>) dst(%arg8 : memref<32x768xf32, #tpu.memory_space<vmem>>)
    %add3A_338 = arith.constant 384 : i32
    %add3A_339 = arith.addi %select_n3A_32, %add3A_338 : i32
    %dma_start3A_340 = arith.constant 0 : i32
    %dma_start3A_341 = tpu.memref_slice %arg4[%select_n3A, %add3A_339, %dma_start3A_340] : memref<4x4096x768xf32, #tpu.memory_space<hbm>> -> memref<1x32x768xf32, #tpu.memory_space<hbm>>
    %dma_start3A_342 = tpu.memref_squeeze %dma_start3A_341 : memref<1x32x768xf32, #tpu.memory_space<hbm>> -> memref<32x768xf32, #tpu.memory_space<hbm>>
    %dma_start3A_343 = arith.constant 0 : i32
    %dma_start3A_344 = tpu.memref_slice %arg4[%select_n3A, %add3A_339, %dma_start3A_343] : memref<4x4096x768xf32, #tpu.memory_space<hbm>> -> memref<1x32x768xf32, #tpu.memory_space<hbm>>
    %dma_start3A_345 = tpu.memref_squeeze %dma_start3A_344 : memref<1x32x768xf32, #tpu.memory_space<hbm>> -> memref<32x768xf32, #tpu.memory_space<hbm>>
    tpu.enqueue_dma source(%arg8 : memref<32x768xf32, #tpu.memory_space<vmem>>) target(%dma_start3A_345 : memref<32x768xf32, #tpu.memory_space<hbm>>) target_semaphore(%arg12 : memref<!tpu.dma_semaphore, #tpu.memory_space<semaphore_mem>>)
    %dma_wait3A_346 = arith.constant 416 : i32
    %dma_wait3A_347 = tpu.memref_slice %arg5[%dma_wait3A_346] : memref<512xi32, #tpu.memory_space<vmem>> -> memref<32xi32, #tpu.memory_space<vmem>>
    %dma_wait3A_348 = arith.constant 0 : i32
    %dma_wait3A_349 = arith.constant 0 : i32
    %dma_wait3A_350 = tpu.memref_slice %arg2[%dma_wait3A_348, %dma_wait3A_349] : memref<30522x768xf32, #tpu.memory_space<hbm>> -> memref<30522x768xf32, #tpu.memory_space<hbm>>
    tpu.wait_indirect_dma semaphore(%arg11 : memref<!tpu.dma_semaphore, #tpu.memory_space<semaphore_mem>>) src(%dma_wait3A_350 : memref<30522x768xf32, #tpu.memory_space<hbm>>) dst(%arg9 : memref<32x768xf32, #tpu.memory_space<vmem>>)
    %add3A_351 = arith.constant 416 : i32
    %add3A_352 = arith.addi %select_n3A_32, %add3A_351 : i32
    %dma_start3A_353 = arith.constant 0 : i32
    %dma_start3A_354 = tpu.memref_slice %arg4[%select_n3A, %add3A_352, %dma_start3A_353] : memref<4x4096x768xf32, #tpu.memory_space<hbm>> -> memref<1x32x768xf32, #tpu.memory_space<hbm>>
    %dma_start3A_355 = tpu.memref_squeeze %dma_start3A_354 : memref<1x32x768xf32, #tpu.memory_space<hbm>> -> memref<32x768xf32, #tpu.memory_space<hbm>>
    %dma_start3A_356 = arith.constant 0 : i32
    %dma_start3A_357 = tpu.memref_slice %arg4[%select_n3A, %add3A_352, %dma_start3A_356] : memref<4x4096x768xf32, #tpu.memory_space<hbm>> -> memref<1x32x768xf32, #tpu.memory_space<hbm>>
    %dma_start3A_358 = tpu.memref_squeeze %dma_start3A_357 : memref<1x32x768xf32, #tpu.memory_space<hbm>> -> memref<32x768xf32, #tpu.memory_space<hbm>>
    tpu.enqueue_dma source(%arg9 : memref<32x768xf32, #tpu.memory_space<vmem>>) target(%dma_start3A_358 : memref<32x768xf32, #tpu.memory_space<hbm>>) target_semaphore(%arg12 : memref<!tpu.dma_semaphore, #tpu.memory_space<semaphore_mem>>)
    %dma_wait3A_359 = arith.constant 448 : i32
    %dma_wait3A_360 = tpu.memref_slice %arg5[%dma_wait3A_359] : memref<512xi32, #tpu.memory_space<vmem>> -> memref<32xi32, #tpu.memory_space<vmem>>
    %dma_wait3A_361 = arith.constant 0 : i32
    %dma_wait3A_362 = arith.constant 0 : i32
    %dma_wait3A_363 = tpu.memref_slice %arg2[%dma_wait3A_361, %dma_wait3A_362] : memref<30522x768xf32, #tpu.memory_space<hbm>> -> memref<30522x768xf32, #tpu.memory_space<hbm>>
    tpu.wait_indirect_dma semaphore(%arg11 : memref<!tpu.dma_semaphore, #tpu.memory_space<semaphore_mem>>) src(%dma_wait3A_363 : memref<30522x768xf32, #tpu.memory_space<hbm>>) dst(%arg10 : memref<32x768xf32, #tpu.memory_space<vmem>>)
    %add3A_364 = arith.constant 448 : i32
    %add3A_365 = arith.addi %select_n3A_32, %add3A_364 : i32
    %dma_start3A_366 = arith.constant 0 : i32
    %dma_start3A_367 = tpu.memref_slice %arg4[%select_n3A, %add3A_365, %dma_start3A_366] : memref<4x4096x768xf32, #tpu.memory_space<hbm>> -> memref<1x32x768xf32, #tpu.memory_space<hbm>>
    %dma_start3A_368 = tpu.memref_squeeze %dma_start3A_367 : memref<1x32x768xf32, #tpu.memory_space<hbm>> -> memref<32x768xf32, #tpu.memory_space<hbm>>
    %dma_start3A_369 = arith.constant 0 : i32
    %dma_start3A_370 = tpu.memref_slice %arg4[%select_n3A, %add3A_365, %dma_start3A_369] : memref<4x4096x768xf32, #tpu.memory_space<hbm>> -> memref<1x32x768xf32, #tpu.memory_space<hbm>>
    %dma_start3A_371 = tpu.memref_squeeze %dma_start3A_370 : memref<1x32x768xf32, #tpu.memory_space<hbm>> -> memref<32x768xf32, #tpu.memory_space<hbm>>
    tpu.enqueue_dma source(%arg10 : memref<32x768xf32, #tpu.memory_space<vmem>>) target(%dma_start3A_371 : memref<32x768xf32, #tpu.memory_space<hbm>>) target_semaphore(%arg12 : memref<!tpu.dma_semaphore, #tpu.memory_space<semaphore_mem>>)
    %dma_wait3A_372 = arith.constant 480 : i32
    %dma_wait3A_373 = tpu.memref_slice %arg5[%dma_wait3A_372] : memref<512xi32, #tpu.memory_space<vmem>> -> memref<32xi32, #tpu.memory_space<vmem>>
    %dma_wait3A_374 = arith.constant 0 : i32
    %dma_wait3A_375 = arith.constant 0 : i32
    %dma_wait3A_376 = tpu.memref_slice %arg2[%dma_wait3A_374, %dma_wait3A_375] : memref<30522x768xf32, #tpu.memory_space<hbm>> -> memref<30522x768xf32, #tpu.memory_space<hbm>>
    tpu.wait_indirect_dma semaphore(%arg11 : memref<!tpu.dma_semaphore, #tpu.memory_space<semaphore_mem>>) src(%dma_wait3A_376 : memref<30522x768xf32, #tpu.memory_space<hbm>>) dst(%arg6 : memref<32x768xf32, #tpu.memory_space<vmem>>)
    %add3A_377 = arith.constant 480 : i32
    %add3A_378 = arith.addi %select_n3A_32, %add3A_377 : i32
    %dma_start3A_379 = arith.constant 0 : i32
    %dma_start3A_380 = tpu.memref_slice %arg4[%select_n3A, %add3A_378, %dma_start3A_379] : memref<4x4096x768xf32, #tpu.memory_space<hbm>> -> memref<1x32x768xf32, #tpu.memory_space<hbm>>
    %dma_start3A_381 = tpu.memref_squeeze %dma_start3A_380 : memref<1x32x768xf32, #tpu.memory_space<hbm>> -> memref<32x768xf32, #tpu.memory_space<hbm>>
    %dma_start3A_382 = arith.constant 0 : i32
    %dma_start3A_383 = tpu.memref_slice %arg4[%select_n3A, %add3A_378, %dma_start3A_382] : memref<4x4096x768xf32, #tpu.memory_space<hbm>> -> memref<1x32x768xf32, #tpu.memory_space<hbm>>
    %dma_start3A_384 = tpu.memref_squeeze %dma_start3A_383 : memref<1x32x768xf32, #tpu.memory_space<hbm>> -> memref<32x768xf32, #tpu.memory_space<hbm>>
    tpu.enqueue_dma source(%arg6 : memref<32x768xf32, #tpu.memory_space<vmem>>) target(%dma_start3A_384 : memref<32x768xf32, #tpu.memory_space<hbm>>) target_semaphore(%arg12 : memref<!tpu.dma_semaphore, #tpu.memory_space<semaphore_mem>>)
    %dma_wait3A_385 = arith.constant 0 : i32
    %dma_wait3A_386 = tpu.memref_slice %arg4[%select_n3A, %add3A_315, %dma_wait3A_385] : memref<4x4096x768xf32, #tpu.memory_space<hbm>> -> memref<1x32x768xf32, #tpu.memory_space<hbm>>
    %dma_wait3A_387 = tpu.memref_squeeze %dma_wait3A_386 : memref<1x32x768xf32, #tpu.memory_space<hbm>> -> memref<32x768xf32, #tpu.memory_space<hbm>>
    %dma_wait3A_388 = arith.constant 0 : i32
    %dma_wait3A_389 = tpu.memref_slice %arg4[%select_n3A, %add3A_315, %dma_wait3A_388] : memref<4x4096x768xf32, #tpu.memory_space<hbm>> -> memref<1x32x768xf32, #tpu.memory_space<hbm>>
    %dma_wait3A_390 = tpu.memref_squeeze %dma_wait3A_389 : memref<1x32x768xf32, #tpu.memory_space<hbm>> -> memref<32x768xf32, #tpu.memory_space<hbm>>
    tpu.wait_dma2 semaphore(%arg12 : memref<!tpu.dma_semaphore, #tpu.memory_space<semaphore_mem>>) src(%arg7 : memref<32x768xf32, #tpu.memory_space<vmem>>) dst(%dma_wait3A_390 : memref<32x768xf32, #tpu.memory_space<hbm>>)
    %dma_wait3A_391 = arith.constant 0 : i32
    %dma_wait3A_392 = tpu.memref_slice %arg4[%select_n3A, %add3A_339, %dma_wait3A_391] : memref<4x4096x768xf32, #tpu.memory_space<hbm>> -> memref<1x32x768xf32, #tpu.memory_space<hbm>>
    %dma_wait3A_393 = tpu.memref_squeeze %dma_wait3A_392 : memref<1x32x768xf32, #tpu.memory_space<hbm>> -> memref<32x768xf32, #tpu.memory_space<hbm>>
    %dma_wait3A_394 = arith.constant 0 : i32
    %dma_wait3A_395 = tpu.memref_slice %arg4[%select_n3A, %add3A_339, %dma_wait3A_394] : memref<4x4096x768xf32, #tpu.memory_space<hbm>> -> memref<1x32x768xf32, #tpu.memory_space<hbm>>
    %dma_wait3A_396 = tpu.memref_squeeze %dma_wait3A_395 : memref<1x32x768xf32, #tpu.memory_space<hbm>> -> memref<32x768xf32, #tpu.memory_space<hbm>>
    tpu.wait_dma2 semaphore(%arg12 : memref<!tpu.dma_semaphore, #tpu.memory_space<semaphore_mem>>) src(%arg8 : memref<32x768xf32, #tpu.memory_space<vmem>>) dst(%dma_wait3A_396 : memref<32x768xf32, #tpu.memory_space<hbm>>)
    %dma_wait3A_397 = arith.constant 0 : i32
    %dma_wait3A_398 = tpu.memref_slice %arg4[%select_n3A, %add3A_352, %dma_wait3A_397] : memref<4x4096x768xf32, #tpu.memory_space<hbm>> -> memref<1x32x768xf32, #tpu.memory_space<hbm>>
    %dma_wait3A_399 = tpu.memref_squeeze %dma_wait3A_398 : memref<1x32x768xf32, #tpu.memory_space<hbm>> -> memref<32x768xf32, #tpu.memory_space<hbm>>
    %dma_wait3A_400 = arith.constant 0 : i32
    %dma_wait3A_401 = tpu.memref_slice %arg4[%select_n3A, %add3A_352, %dma_wait3A_400] : memref<4x4096x768xf32, #tpu.memory_space<hbm>> -> memref<1x32x768xf32, #tpu.memory_space<hbm>>
    %dma_wait3A_402 = tpu.memref_squeeze %dma_wait3A_401 : memref<1x32x768xf32, #tpu.memory_space<hbm>> -> memref<32x768xf32, #tpu.memory_space<hbm>>
    tpu.wait_dma2 semaphore(%arg12 : memref<!tpu.dma_semaphore, #tpu.memory_space<semaphore_mem>>) src(%arg9 : memref<32x768xf32, #tpu.memory_space<vmem>>) dst(%dma_wait3A_402 : memref<32x768xf32, #tpu.memory_space<hbm>>)
    %dma_wait3A_403 = arith.constant 0 : i32
    %dma_wait3A_404 = tpu.memref_slice %arg4[%select_n3A, %add3A_365, %dma_wait3A_403] : memref<4x4096x768xf32, #tpu.memory_space<hbm>> -> memref<1x32x768xf32, #tpu.memory_space<hbm>>
    %dma_wait3A_405 = tpu.memref_squeeze %dma_wait3A_404 : memref<1x32x768xf32, #tpu.memory_space<hbm>> -> memref<32x768xf32, #tpu.memory_space<hbm>>
    %dma_wait3A_406 = arith.constant 0 : i32
    %dma_wait3A_407 = tpu.memref_slice %arg4[%select_n3A, %add3A_365, %dma_wait3A_406] : memref<4x4096x768xf32, #tpu.memory_space<hbm>> -> memref<1x32x768xf32, #tpu.memory_space<hbm>>
    %dma_wait3A_408 = tpu.memref_squeeze %dma_wait3A_407 : memref<1x32x768xf32, #tpu.memory_space<hbm>> -> memref<32x768xf32, #tpu.memory_space<hbm>>
    tpu.wait_dma2 semaphore(%arg12 : memref<!tpu.dma_semaphore, #tpu.memory_space<semaphore_mem>>) src(%arg10 : memref<32x768xf32, #tpu.memory_space<vmem>>) dst(%dma_wait3A_408 : memref<32x768xf32, #tpu.memory_space<hbm>>)
    %dma_wait3A_409 = arith.constant 0 : i32
    %dma_wait3A_410 = tpu.memref_slice %arg4[%select_n3A, %add3A_378, %dma_wait3A_409] : memref<4x4096x768xf32, #tpu.memory_space<hbm>> -> memref<1x32x768xf32, #tpu.memory_space<hbm>>
    %dma_wait3A_411 = tpu.memref_squeeze %dma_wait3A_410 : memref<1x32x768xf32, #tpu.memory_space<hbm>> -> memref<32x768xf32, #tpu.memory_space<hbm>>
    %dma_wait3A_412 = arith.constant 0 : i32
    %dma_wait3A_413 = tpu.memref_slice %arg4[%select_n3A, %add3A_378, %dma_wait3A_412] : memref<4x4096x768xf32, #tpu.memory_space<hbm>> -> memref<1x32x768xf32, #tpu.memory_space<hbm>>
    %dma_wait3A_414 = tpu.memref_squeeze %dma_wait3A_413 : memref<1x32x768xf32, #tpu.memory_space<hbm>> -> memref<32x768xf32, #tpu.memory_space<hbm>>
    tpu.wait_dma2 semaphore(%arg12 : memref<!tpu.dma_semaphore, #tpu.memory_space<semaphore_mem>>) src(%arg6 : memref<32x768xf32, #tpu.memory_space<vmem>>) dst(%dma_wait3A_414 : memref<32x768xf32, #tpu.memory_space<hbm>>)
    return
  }
}

</mosaic_0001>

<sc_bundles>
// kernel: kernel.3.cloned.1.call-start
scs
__scs_entry_jumppad:
0x0: {  	(pc) =	sbr.rel $0x88, $3  }
0x1: {  	(tag) =	ssettag $0x0;
	lr =	simm.s32 $0x1  }
0x2: {  	[smem:$0x3F9F] =	sst lr;
	_ =	strace $0xD0000000  }
0x3: {  	_ = 	snop  }
0x4: {  	_ = 	snop  }
0x5: {  	_ = 	snop  }
0x6: {  	_ = 	snop  }
0x7: {  	_ = 	snop  }
__scs_overlays_trampoline_lowered:
0x8: {  	[smem:$0x3FAE] =	sst s0  }
0x9: {  	[smem:$0x3FAF] =	sst s1  }
0xa: {  	[smem:$0x3FB0] =	sst s2  }
0xb: {  	[smem:$0x3FB1] =	sst s3  }
0xc: {  	[smem:$0x3FB2] =	sst s4  }
0xd: {  	[smem:$0x3FB3] =	sst s5  }
0xe: {  	[smem:$0x3FB4] =	sst s6  }
0xf: {  	[smem:$0x3FB5] =	sst s7  }
0x10: {  	[smem:$0x3FB6] =	sst s8  }
0x11: {  	[smem:$0x3FB7] =	sst s9;
	s0 =	simm.s32 @!p0 $0x0  }
0x12: {  	s1 =	sld [smem:$0x3F9D];
	s0 =	simm.s32 @p0 $0x1  }
0x13: {  	[smem:$0x3FB8] =	sst s0;
	s0 =	simm.s32 @!p1 $0x0  }
0x14: {  	s2 =	sld [smem:$0x3F9C];
	s0 =	simm.s32 @p1 $0x1  }
0x15: {  	[smem:$0x3FB9] =	sst s0;
	s0 =	simm.s32 @!p2 $0x0  }
0x16: {  	s3 =	sld [smem:$0x3FDB];
	s0 =	simm.s32 @p2 $0x1  }
0x17: {  	s4 =	simm.s32 $0x1BF5;
	[smem:$0x3FBB] =	sst s0  }
0x18: {  	s0 =	sld [smem:$0x3F9E];
	_ =	swait.ge [sflag:s4], $0x0  }
0x19: {  	s7 =	sld [smem:$0x3F9F]  }
0x1a: {  	s8 =	sadd.s32 $0xFFFFE003, lr  }
0x1b: {  	s9 =	sadd.s32 $0xFFFFFEF7, lr;
	s5 =	simm.s32 $0xFFFFFFFF;
	p2 =	slt.u32 s8, $0xFFFFF086  }
0x1c: {  	p1 =	slt.u32 s9, $0xF7A;
	s5 =	simm.s32 @!p2 $0x0  }
0x1d: {  	s5 =	simm.s32 @p1 $0x1;
	p0 =	seq.s32 s7, s2  }
0x1e: {  	s7 =	smul.u32 @!p0 $0xF7A, s2;
	p2 =	seq.s32 @!p0 s5, $0x0  }
0x1f: {  	s9 =	smul.u32 $0xF7A, s1;
	s8 =	simm.s32 @!p0 $0x1BF5;
	p2 =	por !p2, p0  }
0x20: {  	[sflag:s8] =	ssyncset.s32 @!p0 $0xFFFFF086;
	s6 =	sadd.s32 @!p0 s3, s7;
	s7 =	simm.s32 @!p0 $0x108  }
0x21: {  	s3 =	sadd.s32 s3, s9;
	s6 =	sadd.s32 @!p0 $0x88, s6;
	s7 =	simm.s32 @p2 $0x1082  }
0x22: {  	[simem:s7], [sflag:s8] =	dma.local @!p0 [hbm:s6], $0xF7A  }
0x23: {  	s9 =	sor.u32 $0xD0000000, s2;
	s6 =	simm.s32 $0x108;
	_ =	swait.ge @!p0 [sflag:s8], $0x0  }
0x24: {  	s3 =	sadd.s32 $0x88, s3;
	s6 =	simm.s32 @!p1 $0x1082;
	[sflag:s4] =	ssyncset.s32 $0xFFFFF086  }
0x25: {  	[simem:s6], [sflag:s4] =	dma.local [hbm:s3], $0xF7A  }
0x26: {  	[smem:$0x3F9F] =	sst s1;
	(tag) =	ssettag s2;
	_ =	strace s9  }
0x27: {  	s1 =	sld [smem:$0x3FAF]  }
0x28: {  	s2 =	sld [smem:$0x3FB0]  }
0x29: {  	s4 =	sld [smem:$0x3FB2]  }
0x2a: {  	p0 =	seq.s32 s5, $0x0;
	s5 =	sld [smem:$0x3FB3]  }
0x2b: {  	s6 =	sld [smem:$0x3FB4]  }
0x2c: {  	s7 =	sld [smem:$0x3FB5]  }
0x2d: {  	s3 =	simm.s32 $0x108;
	s8 =	sld [smem:$0x3FB6]  }
0x2e: {  	s3 =	simm.s32 @!p0 $0x1082;
	s9 =	sld [smem:$0x3FB7]  }
0x2f: {  	lr =	sadd.s32 s0, s3;
	s0 =	sld [smem:$0x3FAE]  }
0x30: {  	s3 =	sld [smem:$0x3FB1]  }
0x31: {  	[smem:$0x3FBA] =	sst s10  }
0x32: {  	s10 =	sld [smem:$0x3FB8];
	_ =	sdelay $0x3  }
0x33: {  	p0 =	seq.s32 s10, $0x1;
	s10 =	sld [smem:$0x3FBA];
	_ =	sdelay $0x3  }
0x34: {  	[smem:$0x3FBA] =	sst s10  }
0x35: {  	s10 =	sld [smem:$0x3FB9];
	_ =	sdelay $0x3  }
0x36: {  	p1 =	seq.s32 s10, $0x1;
	s10 =	sld [smem:$0x3FBA];
	_ =	sdelay $0x3  }
0x37: {  	[smem:$0x3FBA] =	sst s10  }
0x38: {  	s10 =	sld [smem:$0x3FBB]  }
0x39: {  	_ = 	snop;
	(pc) =	sbr.ind lr, $3  }
0x3a: {  	_ = 	snop  }
0x3b: {  	_ = 	snop  }
0x3c: {  	p2 =	seq.s32 s10, $0x1;
	s10 =	sld [smem:$0x3FBA]  }
0x3d: {  	_ =	shalt  }
0x3e: {  	_ =	shalt  }
0x3f: {  	_ =	shalt  }
0x40: {  	_ =	shalt  }
0x41: {  	_ =	shalt  }
0x42: {  	_ =	shalt  }
0x43: {  	_ =	shalt  }
0x44: {  	_ =	shalt  }
0x45: {  	_ =	shalt  }
0x46: {  	_ =	shalt  }
0x47: {  	_ =	shalt  }
0x48: {  	_ =	shalt  }
0x49: {  	_ =	shalt  }
0x4a: {  	_ =	shalt  }
0x4b: {  	_ =	shalt  }
0x4c: {  	_ =	shalt  }
0x4d: {  	_ =	shalt  }
0x4e: {  	_ =	shalt  }
0x4f: {  	_ =	shalt  }
0x50: {  	_ =	shalt  }
0x51: {  	_ =	shalt  }
0x52: {  	_ =	shalt  }
0x53: {  	_ =	shalt  }
0x54: {  	_ =	shalt  }
0x55: {  	_ =	shalt  }
0x56: {  	_ =	shalt  }
0x57: {  	_ =	shalt  }
0x58: {  	_ =	shalt  }
0x59: {  	_ =	shalt  }
0x5a: {  	_ =	shalt  }
0x5b: {  	_ =	shalt  }
0x5c: {  	_ =	shalt  }
0x5d: {  	_ =	shalt  }
0x5e: {  	_ =	shalt  }
0x5f: {  	_ =	shalt  }
0x60: {  	_ =	shalt  }
0x61: {  	_ =	shalt  }
0x62: {  	_ =	shalt  }
0x63: {  	_ =	shalt  }
0x64: {  	_ =	shalt  }
0x65: {  	_ =	shalt  }
0x66: {  	_ =	shalt  }
0x67: {  	_ =	shalt  }
0x68: {  	_ =	shalt  }
0x69: {  	_ =	shalt  }
0x6a: {  	_ =	shalt  }
0x6b: {  	_ =	shalt  }
0x6c: {  	_ =	shalt  }
0x6d: {  	_ =	shalt  }
0x6e: {  	_ =	shalt  }
0x6f: {  	_ =	shalt  }
0x70: {  	_ =	shalt  }
0x71: {  	_ =	shalt  }
0x72: {  	_ =	shalt  }
0x73: {  	_ =	shalt  }
0x74: {  	_ =	shalt  }
0x75: {  	_ =	shalt  }
0x76: {  	_ =	shalt  }
0x77: {  	_ =	shalt  }
0x78: {  	_ =	shalt  }
0x79: {  	_ =	shalt  }
0x7a: {  	_ =	shalt  }
0x7b: {  	_ =	shalt  }
0x7c: {  	_ =	shalt  }
0x7d: {  	_ =	shalt  }
0x7e: {  	_ =	shalt  }
0x7f: {  	_ =	shalt  }
0x80: {  	_ =	shalt  }
0x81: {  	_ =	shalt  }
0x82: {  	_ =	shalt  }
0x83: {  	_ =	shalt  }
0x84: {  	_ =	shalt  }
0x85: {  	_ =	shalt  }
0x86: {  	_ =	shalt  }
0x87: {  	_ =	shalt  }
.Lfunc_end0:
.L_simem_size_0:
called_computation_lowered:
.L_overlay_start_0:
0x88: {  	s2 =	sld [smem:$0x3FD9]  }
0x89: {  	s3 =	sld [smem:$0x3FFE];
	_ =	sdelay $0x1  }
0x8a: {  	s1 =	srdreg.scid  }
0x8b: {  	s0 =	sand.u32 $0x1, s1  }
0x8c: {  	s18 =	sshll.u32 s0, $0xA;
	s2 =	sadd.s32 s3, s2  }
0x8d: {  	s2 =	sadd.s32 s2, s18  }
0x8e: {  	[smem:$0x3FC6] =	sst s2  }
0x8f: {  	_ = 	snop  }
0x90: {  	s2 =	sld [smem:$0x3FC9]  }
0x91: {  	s19 =	sld [smem:$0x3FC8]  }
0x92: {  	s4 =	sld [smem:$0x3FD0];
	(tm) =	ssettm $0x1  }
0x93: {  	s5 =	sld [smem:$0x3FFB];
	_ =	sdelay $0x3  }
0x94: {  	_ =	strace s5  }
0x95: {  	s5 =	sld [smem:$0x3FFC];
	_ =	sdelay $0x3  }
0x96: {  	_ =	strace s5  }
0x97: {  	s5 =	sld [smem:$0x3FFD];
	_ =	sdelay $0x3  }
0x98: {  	_ =	strace s5  }
0x99: {  	_ =	strace $0x8FFFFFFF  }
0x9a: {  	s20 =	sld [smem:$0x3FDB];
	_ =	sdelay $0x1  }
0x9b: {  	s6 =	simm.s32 $_scs_section_size  }
0x9c: {  	s7 =	simm.s32 $_size__tile_overlayer_lowered;
	s8 =	simm.s32 $_tile_overlayer_lowered  }
0x9d: {  	s23 =	simm.s32 $0x1BFF;
	s22 =	sshll.u32 s8, $0x1;
	s5 =	sadd.s32 s6, s20  }
0x9e: {  	s9 =	simm.s32 $0x0;
	s21 =	sshll.u32 s7, $0x1;
	s7 =	sadd.s32 s22, s5  }
0x9f: {  	[timem:s9], [sflag:s23] =	dma.local [hbm:s7], s21  }
0xa0: {  	_ =	swait.ge [sflag:s23], s21  }
0xa1: {  	s6 =	ssub.s32 $0x0, s21;
	[sflag:s23] =	ssyncset.done $0x0  }
0xa2: {  	[sflag:s23] =	ssyncadd.s32 s6;
	_ =	sdelay $0x1  }
0xa3: {  	s24 =	simm.s32 $0x1B8B  }
0xa4: {  	_ =	swait.ge [sflag:s24], $0x1  }
0xa5: {  	[sflag:s24] =	ssyncset.done $0x0  }
0xa6: {  	s25 =	simm.s32 $0x1B8E;
	[sflag:s24] =	ssyncadd.s32 $0xFFFFFFFF  }
0xa7: {  	s26 =	simm.s32 $execute0_lowered;
	[smem:$0x3FD2] =	sst s25  }
0xa8: {  	s6 =	sshll.u32 s26, $0x1;
	_ =	strace $0x80000046;
	[dreg:$0x1] =	wrdreg $0xFFFFFFFF  }
0xa9: {  	s28 =	simm.s32 $_size_execute0_lowered;
	s5 =	sadd.s32 s5, s6;
	[dreg:$0x0] =	wrdreg $0x0  }
0xaa: {  	s6 =	sshll.u32 s28, $0x1;
	[dreg:$0x2] =	wrdreg s5  }
0xab: {  	[dreg:$0x3] =	wrdreg s6  }
0xac: {  	[dreg:$0x4] =	wrdreg $0xC0  }
0xad: {  	_ =	task [dreg:s9], $0x5FFFF  }
0xae: {  	[dreg:$0x1] =	wrdreg $0xFFFFFFFF  }
0xaf: {  	[dreg:$0x0] =	wrdreg $0x60  }
0xb0: {  	[dreg:$0x2] =	wrdreg s19  }
0xb1: {  	[dreg:$0x3] =	wrdreg s2  }
0xb2: {  	[dreg:$0x4] =	wrdreg s4  }
0xb3: {  	[dreg:$0x5] =	wrdreg $0x9  }
0xb4: {  	_ =	task.clear_ibuf [dreg:s9], $0x6FFFF;
	_ =	strace $0x90000046  }
0xb5: {  	s29 =	simm.s32 $0x9;
	_ =	strace $0x80000048  }
0xb6: {  	_ =	swait.ge [sflag:s29], $0x1  }
0xb7: {  	[sflag:s29] =	ssyncadd.s32 $0xFFFFFFFF  }
0xb8: {  	_ =	strace $0x90000048  }
0xb9: {  	_ =	sfence  }
0xba: {  	s30 =	sld [smem:$0x0];
	_ =	sdelay $0x2  }
0xbb: {  	s31 =	sshll.u32 s1, $0xD;
	s1 =	sshrl.u32 s1, $0x2  }
0xbc: {  	s3 =	sand.u32 $0x4000, s31;
	s1 =	sadd.s32 s1, s30  }
0xbd: {  	s0 =	sor.u32 s3, s0;
	s1 =	sshll.u32 s1, $0x11  }
0xbe: {  	s0 =	sor.u32 s1, s0  }
0xbf: {  	s0 =	sadd.s32 $0x8F2B, s0  }
0xc0: {  	[sflag:s0] =	ssyncadd.remote.s32 $0x1  }
0xc1: {  	_ =	sfence.sel $0xFFFF  }
0xc2: {  	[dreg:$0x0] =	wrdreg $0xFFFFFFFF;
	(pc) =	sbr.abs _section_cstart, $3  }
0xc3: {  	[dreg:$0x1] =	wrdreg $0xFFFFFFFF  }
0xc4: {  	_ =	task.clear_ibuf [dreg:s9], $0x2FFFF;
	_ =	strace $0x9FFFFFFF  }
0xc5: {  	(tm) =	ssettm $0x7FFFFFFF  }
tec
execute0_lowered:
.L_overlay_start_1:
0x0: {  	(tag) =	ssettag $0x1  }
0x1: {  	s0 =	srdreg.scid;
	s4 =	stileid.u32  }
0x2: {  	s13 =	rddreg [dreg:$0x1];
	s0 =	sand.u32 $0x1, s0;
	s1 =	sshll.u32 s4, $0xA  }
0x3: {  	s7 =	rddreg [dreg:$0x2];
	s2 =	sshll.u32 s0, $0x9;
	s3 =	sand.u32 $0xC00, s1  }
0x4: {  	s12 =	sshrl.u32 s4, $0x2;
	s1 =	rddreg [dreg:$0x0];
	s2 =	sor.u32 s2, s3  }
0x5: {  	s5 =	smul.u32 $0x300000, s12;
	s8 =	sshll.u32 s12, $0x7;
	s6 =	sshrl.u32 s2, $0x3  }
0x6: {  	s3 =	simm.s32 $0x0;
	s2 =	sshll.u32 s2, $0x2;
	s6 =	smul.u32 $0x1800, s6  }
0x7: {  	s31 =	simm.s32 $0x80;
	[smem:$0x7FF] =	sst s3;
	s2 =	sor.u32 s8, s2  }
0x8: {  	_ =	strace $0x80000047;
	s2 =	sshrl.u32 s2, $0x3;
	s5 =	sadd.s32 s5, s6  }
0x9: {  	[dreg:$0x14] =	wrdreg s31;
	s2 =	sadd.s32 s13, s2;
	s5 =	sshrl.u32 s5, $0x3  }
0xa: {  	[dreg:$0x4] =	wrdreg s2;
	s5 =	sadd.s32 s7, s5  }
0xb: {  	s14 =	sadd.s32 $0xC00, s5;
	[dreg:$0x15] =	wrdreg s5  }
0xc: {  	s15 =	sadd.s32 $0x1800, s5;
	[dreg:$0x5] =	wrdreg s14  }
0xd: {  	s16 =	sadd.s32 $0x2400, s5;
	[dreg:$0x6] =	wrdreg s15  }
0xe: {  	s17 =	sadd.s32 $0x3000, s5;
	[dreg:$0x7] =	wrdreg s16  }
0xf: {  	s18 =	sadd.s32 $0x3C00, s5;
	[dreg:$0x8] =	wrdreg s17  }
0x10: {  	s19 =	sadd.s32 $0x4800, s5;
	[dreg:$0x9] =	wrdreg s18  }
0x11: {  	s9 =	simm.s32 $0x1;
	s20 =	sadd.s32 $0x5400, s5;
	[dreg:$0xa] =	wrdreg s19  }
0x12: {  	s0 =	ssub.s32 $0x2, s0;
	s21 =	sadd.s32 $0x6000, s5;
	[dreg:$0xb] =	wrdreg s20  }
0x13: {  	s28 =	sshrl.u32 s0, $0x1;
	s22 =	sadd.s32 $0x6C00, s5;
	[dreg:$0xc] =	wrdreg s21  }
0x14: {  	s0 =	ssub.s32 s0, s28;
	s23 =	sadd.s32 $0x7800, s5;
	[dreg:$0xd] =	wrdreg s22  }
0x15: {  	s8 =	simm.s32 $0x18200;
	s24 =	sadd.s32 $0x8400, s5;
	[dreg:$0xe] =	wrdreg s23  }
0x16: {  	s6 =	sadd.s32 $0x200, s1;
	s25 =	sadd.s32 $0x9000, s5;
	[dreg:$0xf] =	wrdreg s24  }
0x17: {  	s13 =	simm.s32 $0x12200;
	s26 =	sadd.s32 $0x9C00, s5;
	[dreg:$0x10] =	wrdreg s25  }
0x18: {  	v2 =	vlaneseq.u32;
	s2 =	simm.s32 $0x200;
	s29 =	sadd.s32 $0xA800, s5;
	[dreg:$0x11] =	wrdreg s26  }
0x19: {  	vm0 =	vmmov $0xffff;
	v1 =	vshrl.u32 v2, $0x3;
	s7 =	smax.u32 s0, $0x1;
	s30 =	sadd.s32 $0xB400, s5;
	[dreg:$0x12] =	wrdreg s29  }
0x1a: {  	v0 =	vand.u32 $0x7, v2;
	v2 =	vor.u32 $0x8, v2;
	v1 =	vmul.u32 $0x8, v1;
	s5 =	sadd.s32 $0x100, s1;
	[dreg:$0x13] =	wrdreg s30;
	s25 =	simm.s32 $0x2  }
.LBB2_1:
0x1b: {  	s26 =	rddreg [dreg:$0x4]  }
0x1c: {  	s28 =	rddreg [dreg:$0x14];
	s19 =	simm.s32 $0x3  }
0x1d: {  	[tilespmem:s3], [sflag:$0x3] =	stream.strided.gather [hbm4b:s26+s28], $0x200, s2, s28, $0x38;
	[tilespmem:$0x1E200] =	vst v63  }
0x1e: {  	_ =	swait.ge [sflag:s19], $0x200  }
0x1f: {  	[sflag:s19] =	ssyncset.done $0x0  }
0x20: {  	[sflag:s19] =	ssyncadd.s32 $0xFFFFFE00  }
0x21: {  	v3 =	vld [tilespmem:$0x0];
	_ =	sdelay $0x4  }
0x22: {  	v4 =	vshrl.u32 v3, $0x3  }
0x23: {  	v4 =	vmul.u32 $0x30, v4  }
0x24: {  	v3 =	vand.u32 $0x7, v3  }
0x25: {  	v3 =	vor.u32 v3, v4  }
0x26: {  	v4 =	vperm.xlane v3, v0;
	_ =	sdelay $0x1  }
0x27: {  	v4 =	vadd.s32 v1, v4;
	_ =	sdelay $0x3  }
0x28: {  	v3 =	vperm.xlane v3, v2  }
0x29: {  	[tilespmem:s2], [sflag:$0x1] =	stream.indirect_vreg.gather [hbm4b:s1+s3], $0x80, v4, vm0, $0xb8;
	[tilespmem:$0x1E200] =	vst v63  }
0x2a: {  	s0 =	simm.s32 $0xA00;
	v3 =	vadd.s32 v1, v3  }
0x2b: {  	[tilespmem:s0], [sflag:$0x1] =	stream.indirect_vreg.gather [hbm4b:s5+s3], $0x80, v4, vm0, $0xb8;
	[tilespmem:$0x1E200] =	vst v63  }
0x2c: {  	s20 =	simm.s32 $0x1200  }
0x2d: {  	[tilespmem:s20], [sflag:$0x1] =	stream.indirect_vreg.gather [hbm4b:s6+s3], $0x80, v4, vm0, $0xb8;
	[tilespmem:$0x1E200] =	vst v63  }
0x2e: {  	s21 =	simm.s32 $0x1A00  }
0x2f: {  	[tilespmem:s21], [sflag:$0x1] =	stream.indirect_vreg.gather [hbm4b:s1+s3], $0x80, v3, vm0, $0xb8;
	[tilespmem:$0x1E200] =	vst v63  }
0x30: {  	s22 =	simm.s32 $0x2200  }
0x31: {  	[tilespmem:s22], [sflag:$0x1] =	stream.indirect_vreg.gather [hbm4b:s5+s3], $0x80, v3, vm0, $0xb8;
	[tilespmem:$0x1E200] =	vst v63  }
0x32: {  	s23 =	simm.s32 $0x2A00  }
0x33: {  	[tilespmem:s23], [sflag:$0x1] =	stream.indirect_vreg.gather [hbm4b:s6+s3], $0x80, v3, vm0, $0xb8;
	[tilespmem:$0x1E200] =	vst v63  }
0x34: {  	v3 =	vld [tilespmem:$0x10];
	_ =	sdelay $0x4  }
0x35: {  	v33 =	vshrl.u32 v3, $0x3  }
0x36: {  	v4 =	vmul.u32 $0x30, v33  }
0x37: {  	v3 =	vand.u32 $0x7, v3  }
0x38: {  	v3 =	vor.u32 v3, v4  }
0x39: {  	v4 =	vperm.xlane v3, v0;
	_ =	sdelay $0x1  }
0x3a: {  	v4 =	vadd.s32 v1, v4;
	_ =	sdelay $0x3  }
0x3b: {  	s24 =	simm.s32 $0x3200;
	v3 =	vperm.xlane v3, v2  }
0x3c: {  	[tilespmem:s24], [sflag:$0x1] =	stream.indirect_vreg.gather [hbm4b:s1+s3], $0x80, v4, vm0, $0xb8;
	[tilespmem:$0x1E200] =	vst v63  }
0x3d: {  	s26 =	simm.s32 $0x3A00;
	v3 =	vadd.s32 v1, v3  }
0x3e: {  	[tilespmem:s26], [sflag:$0x1] =	stream.indirect_vreg.gather [hbm4b:s5+s3], $0x80, v4, vm0, $0xb8;
	[tilespmem:$0x1E200] =	vst v63  }
0x3f: {  	s28 =	simm.s32 $0x4200  }
0x40: {  	[tilespmem:s28], [sflag:$0x1] =	stream.indirect_vreg.gather [hbm4b:s6+s3], $0x80, v4, vm0, $0xb8;
	[tilespmem:$0x1E200] =	vst v63  }
0x41: {  	s29 =	simm.s32 $0x4A00  }
0x42: {  	[tilespmem:s29], [sflag:$0x1] =	stream.indirect_vreg.gather [hbm4b:s1+s3], $0x80, v3, vm0, $0xb8;
	[tilespmem:$0x1E200] =	vst v63  }
0x43: {  	s30 =	simm.s32 $0x5200  }
0x44: {  	[tilespmem:s30], [sflag:$0x1] =	stream.indirect_vreg.gather [hbm4b:s5+s3], $0x80, v3, vm0, $0xb8;
	[tilespmem:$0x1E200] =	vst v63  }
0x45: {  	s31 =	simm.s32 $0x5A00  }
0x46: {  	[tilespmem:s31], [sflag:$0x1] =	stream.indirect_vreg.gather [hbm4b:s6+s3], $0x80, v3, vm0, $0xb8;
	[tilespmem:$0x1E200] =	vst v63  }
0x47: {  	v3 =	vld [tilespmem:$0x20];
	_ =	sdelay $0x4  }
0x48: {  	v34 =	vshrl.u32 v3, $0x3  }
0x49: {  	v4 =	vmul.u32 $0x30, v34  }
0x4a: {  	v3 =	vand.u32 $0x7, v3  }
0x4b: {  	v3 =	vor.u32 v3, v4  }
0x4c: {  	v4 =	vperm.xlane v3, v0;
	_ =	sdelay $0x1  }
0x4d: {  	v4 =	vadd.s32 v1, v4;
	_ =	sdelay $0x3  }
0x4e: {  	s28 =	simm.s32 $0x6200;
	v3 =	vperm.xlane v3, v2  }
0x4f: {  	[tilespmem:s28], [sflag:$0x1] =	stream.indirect_vreg.gather [hbm4b:s1+s3], $0x80, v4, vm0, $0xb8;
	[tilespmem:$0x1E200] =	vst v63  }
0x50: {  	s4 =	simm.s32 $0x6A00;
	v3 =	vadd.s32 v1, v3  }
0x51: {  	[tilespmem:s4], [sflag:$0x1] =	stream.indirect_vreg.gather [hbm4b:s5+s3], $0x80, v4, vm0, $0xb8;
	[tilespmem:$0x1E200] =	vst v63  }
0x52: {  	s11 =	simm.s32 $0x7200  }
0x53: {  	[tilespmem:s11], [sflag:$0x1] =	stream.indirect_vreg.gather [hbm4b:s6+s3], $0x80, v4, vm0, $0xb8;
	[tilespmem:$0x1E200] =	vst v63  }
0x54: {  	s12 =	simm.s32 $0x7A00  }
0x55: {  	[tilespmem:s12], [sflag:$0x1] =	stream.indirect_vreg.gather [hbm4b:s1+s3], $0x80, v3, vm0, $0xb8;
	[tilespmem:$0x1E200] =	vst v63  }
0x56: {  	s14 =	simm.s32 $0x8200  }
0x57: {  	[tilespmem:s14], [sflag:$0x1] =	stream.indirect_vreg.gather [hbm4b:s5+s3], $0x80, v3, vm0, $0xb8;
	[tilespmem:$0x1E200] =	vst v63  }
0x58: {  	s15 =	simm.s32 $0x8A00  }
0x59: {  	[tilespmem:s15], [sflag:$0x1] =	stream.indirect_vreg.gather [hbm4b:s6+s3], $0x80, v3, vm0, $0xb8;
	[tilespmem:$0x1E200] =	vst v63  }
0x5a: {  	v3 =	vld [tilespmem:$0x30];
	_ =	sdelay $0x4  }
0x5b: {  	v35 =	vshrl.u32 v3, $0x3  }
0x5c: {  	v4 =	vmul.u32 $0x30, v35  }
0x5d: {  	v3 =	vand.u32 $0x7, v3  }
0x5e: {  	v3 =	vor.u32 v3, v4  }
0x5f: {  	v4 =	vperm.xlane v3, v0;
	_ =	sdelay $0x1  }
0x60: {  	v4 =	vadd.s32 v1, v4;
	_ =	sdelay $0x3  }
0x61: {  	s16 =	simm.s32 $0x9200;
	v3 =	vperm.xlane v3, v2  }
0x62: {  	[tilespmem:s16], [sflag:$0x1] =	stream.indirect_vreg.gather [hbm4b:s1+s3], $0x80, v4, vm0, $0xb8;
	[tilespmem:$0x1E200] =	vst v63  }
0x63: {  	s17 =	simm.s32 $0x9A00;
	v3 =	vadd.s32 v1, v3  }
0x64: {  	[tilespmem:s17], [sflag:$0x1] =	stream.indirect_vreg.gather [hbm4b:s5+s3], $0x80, v4, vm0, $0xb8;
	[tilespmem:$0x1E200] =	vst v63  }
0x65: {  	s18 =	simm.s32 $0xA200  }
0x66: {  	[tilespmem:s18], [sflag:$0x1] =	stream.indirect_vreg.gather [hbm4b:s6+s3], $0x80, v4, vm0, $0xb8;
	[tilespmem:$0x1E200] =	vst v63  }
0x67: {  	s21 =	simm.s32 $0xAA00  }
0x68: {  	[tilespmem:s21], [sflag:$0x1] =	stream.indirect_vreg.gather [hbm4b:s1+s3], $0x80, v3, vm0, $0xb8;
	[tilespmem:$0x1E200] =	vst v63  }
0x69: {  	s22 =	simm.s32 $0xB200  }
0x6a: {  	[tilespmem:s22], [sflag:$0x1] =	stream.indirect_vreg.gather [hbm4b:s5+s3], $0x80, v3, vm0, $0xb8;
	[tilespmem:$0x1E200] =	vst v63  }
0x6b: {  	s26 =	simm.s32 $0xBA00  }
0x6c: {  	[tilespmem:s26], [sflag:$0x1] =	stream.indirect_vreg.gather [hbm4b:s6+s3], $0x80, v3, vm0, $0xb8;
	[tilespmem:$0x1E200] =	vst v63  }
0x6d: {  	v3 =	vld [tilespmem:$0x40];
	_ =	sdelay $0x4  }
0x6e: {  	v36 =	vshrl.u32 v3, $0x3  }
0x6f: {  	v4 =	vmul.u32 $0x30, v36  }
0x70: {  	v3 =	vand.u32 $0x7, v3  }
0x71: {  	v3 =	vor.u32 v3, v4  }
0x72: {  	v4 =	vperm.xlane v3, v0;
	_ =	sdelay $0x1  }
0x73: {  	v4 =	vadd.s32 v1, v4;
	_ =	sdelay $0x3  }
0x74: {  	s4 =	simm.s32 $0xC200;
	v3 =	vperm.xlane v3, v2  }
0x75: {  	[tilespmem:s4], [sflag:$0x1] =	stream.indirect_vreg.gather [hbm4b:s1+s3], $0x80, v4, vm0, $0xb8;
	[tilespmem:$0x1E200] =	vst v63  }
0x76: {  	v3 =	vadd.s32 v1, v3;
	s4 =	simm.s32 $0xCA00  }
0x77: {  	[tilespmem:s4], [sflag:$0x1] =	stream.indirect_vreg.gather [hbm4b:s5+s3], $0x80, v4, vm0, $0xb8;
	[tilespmem:$0x1E200] =	vst v63  }
0x78: {  	s15 =	simm.s32 $0xD200  }
0x79: {  	[tilespmem:s15], [sflag:$0x1] =	stream.indirect_vreg.gather [hbm4b:s6+s3], $0x80, v4, vm0, $0xb8;
	[tilespmem:$0x1E200] =	vst v63  }
0x7a: {  	s16 =	simm.s32 $0xDA00  }
0x7b: {  	[tilespmem:s16], [sflag:$0x1] =	stream.indirect_vreg.gather [hbm4b:s1+s3], $0x80, v3, vm0, $0xb8;
	[tilespmem:$0x1E200] =	vst v63  }
0x7c: {  	s17 =	simm.s32 $0xE200  }
0x7d: {  	[tilespmem:s17], [sflag:$0x1] =	stream.indirect_vreg.gather [hbm4b:s5+s3], $0x80, v3, vm0, $0xb8;
	[tilespmem:$0x1E200] =	vst v63  }
0x7e: {  	s18 =	simm.s32 $0xEA00  }
0x7f: {  	[tilespmem:s18], [sflag:$0x1] =	stream.indirect_vreg.gather [hbm4b:s6+s3], $0x80, v3, vm0, $0xb8;
	[tilespmem:$0x1E200] =	vst v63  }
0x80: {  	v3 =	vld [tilespmem:$0x50];
	_ =	sdelay $0x4  }
0x81: {  	v37 =	vshrl.u32 v3, $0x3  }
0x82: {  	v4 =	vmul.u32 $0x30, v37  }
0x83: {  	v3 =	vand.u32 $0x7, v3  }
0x84: {  	v3 =	vor.u32 v3, v4  }
0x85: {  	v4 =	vperm.xlane v3, v0;
	_ =	sdelay $0x1  }
0x86: {  	v4 =	vadd.s32 v1, v4;
	_ =	sdelay $0x3  }
0x87: {  	s21 =	simm.s32 $0xF200;
	v3 =	vperm.xlane v3, v2  }
0x88: {  	[tilespmem:s21], [sflag:$0x1] =	stream.indirect_vreg.gather [hbm4b:s1+s3], $0x80, v4, vm0, $0xb8;
	[tilespmem:$0x1E200] =	vst v63  }
0x89: {  	s22 =	simm.s32 $0xFA00;
	v3 =	vadd.s32 v1, v3  }
0x8a: {  	[tilespmem:s22], [sflag:$0x1] =	stream.indirect_vreg.gather [hbm4b:s5+s3], $0x80, v4, vm0, $0xb8;
	[tilespmem:$0x1E200] =	vst v63  }
0x8b: {  	s26 =	simm.s32 $0x10200  }
0x8c: {  	[tilespmem:s26], [sflag:$0x1] =	stream.indirect_vreg.gather [hbm4b:s6+s3], $0x80, v4, vm0, $0xb8;
	[tilespmem:$0x1E200] =	vst v63  }
0x8d: {  	s15 =	simm.s32 $0x10A00  }
0x8e: {  	[tilespmem:s15], [sflag:$0x1] =	stream.indirect_vreg.gather [hbm4b:s1+s3], $0x80, v3, vm0, $0xb8;
	[tilespmem:$0x1E200] =	vst v63  }
0x8f: {  	s16 =	simm.s32 $0x11200  }
0x90: {  	[tilespmem:s16], [sflag:$0x1] =	stream.indirect_vreg.gather [hbm4b:s5+s3], $0x80, v3, vm0, $0xb8;
	[tilespmem:$0x1E200] =	vst v63  }
0x91: {  	s17 =	simm.s32 $0x11A00  }
0x92: {  	[tilespmem:s17], [sflag:$0x1] =	stream.indirect_vreg.gather [hbm4b:s6+s3], $0x80, v3, vm0, $0xb8;
	[tilespmem:$0x1E200] =	vst v63  }
0x93: {  	v3 =	vld [tilespmem:$0x60];
	_ =	sdelay $0x4  }
0x94: {  	v38 =	vshrl.u32 v3, $0x3  }
0x95: {  	v4 =	vmul.u32 $0x30, v38  }
0x96: {  	v3 =	vand.u32 $0x7, v3  }
0x97: {  	v3 =	vor.u32 v3, v4  }
0x98: {  	v4 =	vperm.xlane v3, v0;
	_ =	sdelay $0x1  }
0x99: {  	v4 =	vadd.s32 v1, v4;
	_ =	sdelay $0x3  }
0x9a: {  	v3 =	vperm.xlane v3, v2  }
0x9b: {  	[tilespmem:s13], [sflag:$0x1] =	stream.indirect_vreg.gather [hbm4b:s1+s3], $0x80, v4, vm0, $0xb8;
	[tilespmem:$0x1E200] =	vst v63  }
0x9c: {  	s18 =	simm.s32 $0x12A00;
	v3 =	vadd.s32 v1, v3  }
0x9d: {  	[tilespmem:s18], [sflag:$0x1] =	stream.indirect_vreg.gather [hbm4b:s5+s3], $0x80, v4, vm0, $0xb8;
	[tilespmem:$0x1E200] =	vst v63  }
0x9e: {  	s21 =	simm.s32 $0x13200  }
0x9f: {  	[tilespmem:s21], [sflag:$0x1] =	stream.indirect_vreg.gather [hbm4b:s6+s3], $0x80, v4, vm0, $0xb8;
	[tilespmem:$0x1E200] =	vst v63  }
0xa0: {  	s22 =	simm.s32 $0x13A00  }
0xa1: {  	[tilespmem:s22], [sflag:$0x1] =	stream.indirect_vreg.gather [hbm4b:s1+s3], $0x80, v3, vm0, $0xb8;
	[tilespmem:$0x1E200] =	vst v63  }
0xa2: {  	s26 =	simm.s32 $0x14200  }
0xa3: {  	[tilespmem:s26], [sflag:$0x1] =	stream.indirect_vreg.gather [hbm4b:s5+s3], $0x80, v3, vm0, $0xb8;
	[tilespmem:$0x1E200] =	vst v63  }
0xa4: {  	s15 =	simm.s32 $0x14A00  }
0xa5: {  	[tilespmem:s15], [sflag:$0x1] =	stream.indirect_vreg.gather [hbm4b:s6+s3], $0x80, v3, vm0, $0xb8;
	[tilespmem:$0x1E200] =	vst v63  }
0xa6: {  	v3 =	vld [tilespmem:$0x70];
	_ =	sdelay $0x4  }
0xa7: {  	v39 =	vshrl.u32 v3, $0x3  }
0xa8: {  	v4 =	vmul.u32 $0x30, v39  }
0xa9: {  	v3 =	vand.u32 $0x7, v3  }
0xaa: {  	v3 =	vor.u32 v3, v4  }
0xab: {  	v4 =	vperm.xlane v3, v0;
	_ =	sdelay $0x1  }
0xac: {  	v4 =	vadd.s32 v1, v4;
	_ =	sdelay $0x3  }
0xad: {  	s16 =	simm.s32 $0x15200;
	v3 =	vperm.xlane v3, v2  }
0xae: {  	[tilespmem:s16], [sflag:$0x1] =	stream.indirect_vreg.gather [hbm4b:s1+s3], $0x80, v4, vm0, $0xb8;
	[tilespmem:$0x1E200] =	vst v63  }
0xaf: {  	s17 =	simm.s32 $0x15A00;
	v3 =	vadd.s32 v1, v3  }
0xb0: {  	[tilespmem:s17], [sflag:$0x1] =	stream.indirect_vreg.gather [hbm4b:s5+s3], $0x80, v4, vm0, $0xb8;
	[tilespmem:$0x1E200] =	vst v63  }
0xb1: {  	s18 =	simm.s32 $0x16200  }
0xb2: {  	[tilespmem:s18], [sflag:$0x1] =	stream.indirect_vreg.gather [hbm4b:s6+s3], $0x80, v4, vm0, $0xb8;
	[tilespmem:$0x1E200] =	vst v63  }
0xb3: {  	s21 =	simm.s32 $0x16A00  }
0xb4: {  	[tilespmem:s21], [sflag:$0x1] =	stream.indirect_vreg.gather [hbm4b:s1+s3], $0x80, v3, vm0, $0xb8;
	[tilespmem:$0x1E200] =	vst v63  }
0xb5: {  	s22 =	simm.s32 $0x17200  }
0xb6: {  	[tilespmem:s22], [sflag:$0x1] =	stream.indirect_vreg.gather [hbm4b:s5+s3], $0x80, v3, vm0, $0xb8;
	[tilespmem:$0x1E200] =	vst v63  }
0xb7: {  	s26 =	simm.s32 $0x17A00  }
0xb8: {  	[tilespmem:s26], [sflag:$0x1] =	stream.indirect_vreg.gather [hbm4b:s6+s3], $0x80, v3, vm0, $0xb8;
	[tilespmem:$0x1E200] =	vst v63  }
0xb9: {  	_ =	swait.ge [sflag:s9], $0x6000  }
0xba: {  	[sflag:s9] =	ssyncset.done $0x0  }
0xbb: {  	s15 =	rddreg [dreg:$0x15];
	[sflag:s9] =	ssyncadd.s32 $0xFFFFA000  }
0xbc: {  	[hbm4b:s15+s3] =	stream.linear.scatter [tilespmem:s2], [sflag:$0x2], $0x6000, $0x38;
	[tilespmem:$0x1E200] =	vst v63  }
0xbd: {  	v3 =	vld [tilespmem:$0x80];
	_ =	sdelay $0x4  }
0xbe: {  	v40 =	vshrl.u32 v3, $0x3  }
0xbf: {  	v4 =	vmul.u32 $0x30, v40  }
0xc0: {  	v3 =	vand.u32 $0x7, v3  }
0xc1: {  	v3 =	vor.u32 v3, v4  }
0xc2: {  	v4 =	vperm.xlane v3, v0;
	_ =	sdelay $0x1  }
0xc3: {  	v4 =	vadd.s32 v1, v4;
	_ =	sdelay $0x3  }
0xc4: {  	v3 =	vperm.xlane v3, v2  }
0xc5: {  	[tilespmem:s8], [sflag:$0x1] =	stream.indirect_vreg.gather [hbm4b:s1+s3], $0x80, v4, vm0, $0xb8;
	[tilespmem:$0x1E200] =	vst v63  }
0xc6: {  	s15 =	simm.s32 $0x18A00;
	v3 =	vadd.s32 v1, v3  }
0xc7: {  	[tilespmem:s15], [sflag:$0x1] =	stream.indirect_vreg.gather [hbm4b:s5+s3], $0x80, v4, vm0, $0xb8;
	[tilespmem:$0x1E200] =	vst v63  }
0xc8: {  	s16 =	simm.s32 $0x19200  }
0xc9: {  	[tilespmem:s16], [sflag:$0x1] =	stream.indirect_vreg.gather [hbm4b:s6+s3], $0x80, v4, vm0, $0xb8;
	[tilespmem:$0x1E200] =	vst v63  }
0xca: {  	s17 =	simm.s32 $0x19A00  }
0xcb: {  	[tilespmem:s17], [sflag:$0x1] =	stream.indirect_vreg.gather [hbm4b:s1+s3], $0x80, v3, vm0, $0xb8;
	[tilespmem:$0x1E200] =	vst v63  }
0xcc: {  	s18 =	simm.s32 $0x1A200  }
0xcd: {  	[tilespmem:s18], [sflag:$0x1] =	stream.indirect_vreg.gather [hbm4b:s5+s3], $0x80, v3, vm0, $0xb8;
	[tilespmem:$0x1E200] =	vst v63  }
0xce: {  	s21 =	simm.s32 $0x1AA00  }
0xcf: {  	[tilespmem:s21], [sflag:$0x1] =	stream.indirect_vreg.gather [hbm4b:s6+s3], $0x80, v3, vm0, $0xb8;
	[tilespmem:$0x1E200] =	vst v63  }
0xd0: {  	v3 =	vld [tilespmem:$0x90];
	_ =	sdelay $0x4  }
0xd1: {  	v41 =	vshrl.u32 v3, $0x3  }
0xd2: {  	v4 =	vmul.u32 $0x30, v41  }
0xd3: {  	v3 =	vand.u32 $0x7, v3  }
0xd4: {  	v3 =	vor.u32 v3, v4  }
0xd5: {  	v4 =	vperm.xlane v3, v0;
	_ =	sdelay $0x1  }
0xd6: {  	v4 =	vadd.s32 v1, v4;
	_ =	sdelay $0x3  }
0xd7: {  	s22 =	simm.s32 $0x1B200;
	v3 =	vperm.xlane v3, v2  }
0xd8: {  	[tilespmem:s22], [sflag:$0x1] =	stream.indirect_vreg.gather [hbm4b:s1+s3], $0x80, v4, vm0, $0xb8;
	[tilespmem:$0x1E200] =	vst v63  }
0xd9: {  	s26 =	simm.s32 $0x1BA00;
	v3 =	vadd.s32 v1, v3  }
0xda: {  	[tilespmem:s26], [sflag:$0x1] =	stream.indirect_vreg.gather [hbm4b:s5+s3], $0x80, v4, vm0, $0xb8;
	[tilespmem:$0x1E200] =	vst v63  }
0xdb: {  	s16 =	simm.s32 $0x1C200  }
0xdc: {  	[tilespmem:s16], [sflag:$0x1] =	stream.indirect_vreg.gather [hbm4b:s6+s3], $0x80, v4, vm0, $0xb8;
	[tilespmem:$0x1E200] =	vst v63  }
0xdd: {  	s17 =	simm.s32 $0x1CA00  }
0xde: {  	[tilespmem:s17], [sflag:$0x1] =	stream.indirect_vreg.gather [hbm4b:s1+s3], $0x80, v3, vm0, $0xb8;
	[tilespmem:$0x1E200] =	vst v63  }
0xdf: {  	s18 =	simm.s32 $0x1D200  }
0xe0: {  	[tilespmem:s18], [sflag:$0x1] =	stream.indirect_vreg.gather [hbm4b:s5+s3], $0x80, v3, vm0, $0xb8;
	[tilespmem:$0x1E200] =	vst v63  }
0xe1: {  	s21 =	simm.s32 $0x1DA00  }
0xe2: {  	[tilespmem:s21], [sflag:$0x1] =	stream.indirect_vreg.gather [hbm4b:s6+s3], $0x80, v3, vm0, $0xb8;
	[tilespmem:$0x1E200] =	vst v63  }
0xe3: {  	_ =	swait.ge [sflag:s9], $0x6000  }
0xe4: {  	[sflag:s9] =	ssyncset.done $0x0  }
0xe5: {  	s22 =	rddreg [dreg:$0x5];
	[sflag:s9] =	ssyncadd.s32 $0xFFFFA000  }
0xe6: {  	[hbm4b:s22+s3] =	stream.linear.scatter [tilespmem:s28], [sflag:$0x2], $0x6000, $0x38;
	[tilespmem:$0x1E200] =	vst v63  }
0xe7: {  	_ =	swait.ge [sflag:s25], $0x6000  }
0xe8: {  	[sflag:s25] =	ssyncset.done $0x0  }
0xe9: {  	[sflag:s25] =	ssyncadd.s32 $0xFFFFA000  }
0xea: {  	v3 =	vld [tilespmem:$0xA0];
	_ =	sdelay $0x4  }
0xeb: {  	v42 =	vshrl.u32 v3, $0x3  }
0xec: {  	v4 =	vmul.u32 $0x30, v42  }
0xed: {  	v3 =	vand.u32 $0x7, v3  }
0xee: {  	v3 =	vor.u32 v3, v4  }
0xef: {  	v4 =	vperm.xlane v3, v0;
	_ =	sdelay $0x1  }
0xf0: {  	v4 =	vadd.s32 v1, v4;
	_ =	sdelay $0x3  }
0xf1: {  	v3 =	vperm.xlane v3, v2  }
0xf2: {  	[tilespmem:s2], [sflag:$0x1] =	stream.indirect_vreg.gather [hbm4b:s1+s3], $0x80, v4, vm0, $0xb8;
	[tilespmem:$0x1E200] =	vst v63  }
0xf3: {  	s15 =	simm.s32 $0xA00;
	v3 =	vadd.s32 v1, v3  }
0xf4: {  	[tilespmem:s15], [sflag:$0x1] =	stream.indirect_vreg.gather [hbm4b:s5+s3], $0x80, v4, vm0, $0xb8;
	[tilespmem:$0x1E200] =	vst v63  }
0xf5: {  	s16 =	simm.s32 $0x1200  }
0xf6: {  	[tilespmem:s16], [sflag:$0x1] =	stream.indirect_vreg.gather [hbm4b:s6+s3], $0x80, v4, vm0, $0xb8;
	[tilespmem:$0x1E200] =	vst v63  }
0xf7: {  	s17 =	simm.s32 $0x1A00  }
0xf8: {  	[tilespmem:s17], [sflag:$0x1] =	stream.indirect_vreg.gather [hbm4b:s1+s3], $0x80, v3, vm0, $0xb8;
	[tilespmem:$0x1E200] =	vst v63  }
0xf9: {  	s18 =	simm.s32 $0x2200  }
0xfa: {  	[tilespmem:s18], [sflag:$0x1] =	stream.indirect_vreg.gather [hbm4b:s5+s3], $0x80, v3, vm0, $0xb8;
	[tilespmem:$0x1E200] =	vst v63  }
0xfb: {  	s19 =	simm.s32 $0x2A00  }
0xfc: {  	[tilespmem:s19], [sflag:$0x1] =	stream.indirect_vreg.gather [hbm4b:s6+s3], $0x80, v3, vm0, $0xb8;
	[tilespmem:$0x1E200] =	vst v63  }
0xfd: {  	v3 =	vld [tilespmem:$0xB0];
	_ =	sdelay $0x4  }
0xfe: {  	v43 =	vshrl.u32 v3, $0x3  }
0xff: {  	v4 =	vmul.u32 $0x30, v43  }
0x100: {  	v3 =	vand.u32 $0x7, v3  }
0x101: {  	v3 =	vor.u32 v3, v4  }
0x102: {  	v4 =	vperm.xlane v3, v0;
	_ =	sdelay $0x1  }
0x103: {  	v4 =	vadd.s32 v1, v4;
	_ =	sdelay $0x3  }
0x104: {  	s20 =	simm.s32 $0x3200;
	v3 =	vperm.xlane v3, v2  }
0x105: {  	[tilespmem:s20], [sflag:$0x1] =	stream.indirect_vreg.gather [hbm4b:s1+s3], $0x80, v4, vm0, $0xb8;
	[tilespmem:$0x1E200] =	vst v63  }
0x106: {  	s19 =	simm.s32 $0x3A00;
	v3 =	vadd.s32 v1, v3  }
0x107: {  	[tilespmem:s19], [sflag:$0x1] =	stream.indirect_vreg.gather [hbm4b:s5+s3], $0x80, v4, vm0, $0xb8;
	[tilespmem:$0x1E200] =	vst v63  }
0x108: {  	s20 =	simm.s32 $0x4200  }
0x109: {  	[tilespmem:s20], [sflag:$0x1] =	stream.indirect_vreg.gather [hbm4b:s6+s3], $0x80, v4, vm0, $0xb8;
	[tilespmem:$0x1E200] =	vst v63  }
0x10a: {  	s21 =	simm.s32 $0x4A00  }
0x10b: {  	[tilespmem:s21], [sflag:$0x1] =	stream.indirect_vreg.gather [hbm4b:s1+s3], $0x80, v3, vm0, $0xb8;
	[tilespmem:$0x1E200] =	vst v63  }
0x10c: {  	s22 =	simm.s32 $0x5200  }
0x10d: {  	[tilespmem:s22], [sflag:$0x1] =	stream.indirect_vreg.gather [hbm4b:s5+s3], $0x80, v3, vm0, $0xb8;
	[tilespmem:$0x1E200] =	vst v63  }
0x10e: {  	s10 =	simm.s32 $0x5A00  }
0x10f: {  	[tilespmem:s10], [sflag:$0x1] =	stream.indirect_vreg.gather [hbm4b:s6+s3], $0x80, v3, vm0, $0xb8;
	[tilespmem:$0x1E200] =	vst v63  }
0x110: {  	_ =	swait.ge [sflag:s9], $0x6000  }
0x111: {  	[sflag:s9] =	ssyncset.done $0x0  }
0x112: {  	s0 =	simm.s32 $0xC200;
	s10 =	rddreg [dreg:$0x6];
	[sflag:s9] =	ssyncadd.s32 $0xFFFFA000  }
0x113: {  	[hbm4b:s10+s3] =	stream.linear.scatter [tilespmem:s0], [sflag:$0x2], $0x6000, $0x38;
	[tilespmem:$0x1E200] =	vst v63  }
0x114: {  	_ =	swait.ge [sflag:s25], $0x6000  }
0x115: {  	[sflag:s25] =	ssyncset.done $0x0  }
0x116: {  	[sflag:s25] =	ssyncadd.s32 $0xFFFFA000  }
0x117: {  	v3 =	vld [tilespmem:$0xC0];
	_ =	sdelay $0x4  }
0x118: {  	v44 =	vshrl.u32 v3, $0x3  }
0x119: {  	v4 =	vmul.u32 $0x30, v44  }
0x11a: {  	v3 =	vand.u32 $0x7, v3  }
0x11b: {  	v3 =	vor.u32 v3, v4  }
0x11c: {  	v4 =	vperm.xlane v3, v0;
	_ =	sdelay $0x1  }
0x11d: {  	v4 =	vadd.s32 v1, v4;
	_ =	sdelay $0x3  }
0x11e: {  	v3 =	vperm.xlane v3, v2  }
0x11f: {  	[tilespmem:s28], [sflag:$0x1] =	stream.indirect_vreg.gather [hbm4b:s1+s3], $0x80, v4, vm0, $0xb8;
	[tilespmem:$0x1E200] =	vst v63  }
0x120: {  	s26 =	simm.s32 $0x6A00;
	v3 =	vadd.s32 v1, v3  }
0x121: {  	[tilespmem:s26], [sflag:$0x1] =	stream.indirect_vreg.gather [hbm4b:s5+s3], $0x80, v4, vm0, $0xb8;
	[tilespmem:$0x1E200] =	vst v63  }
0x122: {  	s26 =	simm.s32 $0x7200  }
0x123: {  	[tilespmem:s26], [sflag:$0x1] =	stream.indirect_vreg.gather [hbm4b:s6+s3], $0x80, v4, vm0, $0xb8;
	[tilespmem:$0x1E200] =	vst v63  }
0x124: {  	s26 =	simm.s32 $0x7A00  }
0x125: {  	[tilespmem:s26], [sflag:$0x1] =	stream.indirect_vreg.gather [hbm4b:s1+s3], $0x80, v3, vm0, $0xb8;
	[tilespmem:$0x1E200] =	vst v63  }
0x126: {  	s23 =	simm.s32 $0x8200  }
0x127: {  	[tilespmem:s23], [sflag:$0x1] =	stream.indirect_vreg.gather [hbm4b:s5+s3], $0x80, v3, vm0, $0xb8;
	[tilespmem:$0x1E200] =	vst v63  }
0x128: {  	s11 =	simm.s32 $0x8A00  }
0x129: {  	[tilespmem:s11], [sflag:$0x1] =	stream.indirect_vreg.gather [hbm4b:s6+s3], $0x80, v3, vm0, $0xb8;
	[tilespmem:$0x1E200] =	vst v63  }
0x12a: {  	v3 =	vld [tilespmem:$0xD0];
	_ =	sdelay $0x4  }
0x12b: {  	v45 =	vshrl.u32 v3, $0x3  }
0x12c: {  	v4 =	vmul.u32 $0x30, v45  }
0x12d: {  	v3 =	vand.u32 $0x7, v3  }
0x12e: {  	v3 =	vor.u32 v3, v4  }
0x12f: {  	v4 =	vperm.xlane v3, v0;
	_ =	sdelay $0x1  }
0x130: {  	v4 =	vadd.s32 v1, v4;
	_ =	sdelay $0x3  }
0x131: {  	s12 =	simm.s32 $0x9200;
	v3 =	vperm.xlane v3, v2  }
0x132: {  	[tilespmem:s12], [sflag:$0x1] =	stream.indirect_vreg.gather [hbm4b:s1+s3], $0x80, v4, vm0, $0xb8;
	[tilespmem:$0x1E200] =	vst v63  }
0x133: {  	s24 =	simm.s32 $0x9A00;
	v3 =	vadd.s32 v1, v3  }
0x134: {  	[tilespmem:s24], [sflag:$0x1] =	stream.indirect_vreg.gather [hbm4b:s5+s3], $0x80, v4, vm0, $0xb8;
	[tilespmem:$0x1E200] =	vst v63  }
0x135: {  	s29 =	simm.s32 $0xA200  }
0x136: {  	[tilespmem:s29], [sflag:$0x1] =	stream.indirect_vreg.gather [hbm4b:s6+s3], $0x80, v4, vm0, $0xb8;
	[tilespmem:$0x1E200] =	vst v63  }
0x137: {  	s30 =	simm.s32 $0xAA00  }
0x138: {  	[tilespmem:s30], [sflag:$0x1] =	stream.indirect_vreg.gather [hbm4b:s1+s3], $0x80, v3, vm0, $0xb8;
	[tilespmem:$0x1E200] =	vst v63  }
0x139: {  	s31 =	simm.s32 $0xB200  }
0x13a: {  	[tilespmem:s31], [sflag:$0x1] =	stream.indirect_vreg.gather [hbm4b:s5+s3], $0x80, v3, vm0, $0xb8;
	[tilespmem:$0x1E200] =	vst v63  }
0x13b: {  	s14 =	simm.s32 $0xBA00  }
0x13c: {  	[tilespmem:s14], [sflag:$0x1] =	stream.indirect_vreg.gather [hbm4b:s6+s3], $0x80, v3, vm0, $0xb8;
	[tilespmem:$0x1E200] =	vst v63  }
0x13d: {  	_ =	swait.ge [sflag:s9], $0x6000  }
0x13e: {  	[sflag:s9] =	ssyncset.done $0x0  }
0x13f: {  	s12 =	rddreg [dreg:$0x7];
	[sflag:s9] =	ssyncadd.s32 $0xFFFFA000  }
0x140: {  	[hbm4b:s12+s3] =	stream.linear.scatter [tilespmem:s13], [sflag:$0x2], $0x6000, $0x38;
	[tilespmem:$0x1E200] =	vst v63  }
0x141: {  	_ =	swait.ge [sflag:s25], $0x6000  }
0x142: {  	[sflag:s25] =	ssyncset.done $0x0  }
0x143: {  	[sflag:s25] =	ssyncadd.s32 $0xFFFFA000  }
0x144: {  	v3 =	vld [tilespmem:$0xE0];
	_ =	sdelay $0x4  }
0x145: {  	v46 =	vshrl.u32 v3, $0x3  }
0x146: {  	v4 =	vmul.u32 $0x30, v46  }
0x147: {  	v3 =	vand.u32 $0x7, v3  }
0x148: {  	v3 =	vor.u32 v3, v4  }
0x149: {  	v4 =	vperm.xlane v3, v0;
	_ =	sdelay $0x1  }
0x14a: {  	v4 =	vadd.s32 v1, v4;
	_ =	sdelay $0x3  }
0x14b: {  	v3 =	vperm.xlane v3, v2  }
0x14c: {  	[tilespmem:s0], [sflag:$0x1] =	stream.indirect_vreg.gather [hbm4b:s1+s3], $0x80, v4, vm0, $0xb8;
	[tilespmem:$0x1E200] =	vst v63  }
0x14d: {  	s14 =	simm.s32 $0xCA00;
	v3 =	vadd.s32 v1, v3  }
0x14e: {  	[tilespmem:s14], [sflag:$0x1] =	stream.indirect_vreg.gather [hbm4b:s5+s3], $0x80, v4, vm0, $0xb8;
	[tilespmem:$0x1E200] =	vst v63  }
0x14f: {  	s23 =	simm.s32 $0xD200  }
0x150: {  	[tilespmem:s23], [sflag:$0x1] =	stream.indirect_vreg.gather [hbm4b:s6+s3], $0x80, v4, vm0, $0xb8;
	[tilespmem:$0x1E200] =	vst v63  }
0x151: {  	s24 =	simm.s32 $0xDA00  }
0x152: {  	[tilespmem:s24], [sflag:$0x1] =	stream.indirect_vreg.gather [hbm4b:s1+s3], $0x80, v3, vm0, $0xb8;
	[tilespmem:$0x1E200] =	vst v63  }
0x153: {  	s26 =	simm.s32 $0xE200  }
0x154: {  	[tilespmem:s26], [sflag:$0x1] =	stream.indirect_vreg.gather [hbm4b:s5+s3], $0x80, v3, vm0, $0xb8;
	[tilespmem:$0x1E200] =	vst v63  }
0x155: {  	s29 =	simm.s32 $0xEA00  }
0x156: {  	[tilespmem:s29], [sflag:$0x1] =	stream.indirect_vreg.gather [hbm4b:s6+s3], $0x80, v3, vm0, $0xb8;
	[tilespmem:$0x1E200] =	vst v63  }
0x157: {  	v3 =	vld [tilespmem:$0xF0];
	_ =	sdelay $0x4  }
0x158: {  	v47 =	vshrl.u32 v3, $0x3  }
0x159: {  	v4 =	vmul.u32 $0x30, v47  }
0x15a: {  	v3 =	vand.u32 $0x7, v3  }
0x15b: {  	v3 =	vor.u32 v3, v4  }
0x15c: {  	v4 =	vperm.xlane v3, v0;
	_ =	sdelay $0x1  }
0x15d: {  	v4 =	vadd.s32 v1, v4;
	_ =	sdelay $0x3  }
0x15e: {  	s30 =	simm.s32 $0xF200;
	v3 =	vperm.xlane v3, v2  }
0x15f: {  	[tilespmem:s30], [sflag:$0x1] =	stream.indirect_vreg.gather [hbm4b:s1+s3], $0x80, v4, vm0, $0xb8;
	[tilespmem:$0x1E200] =	vst v63  }
0x160: {  	s31 =	simm.s32 $0xFA00;
	v3 =	vadd.s32 v1, v3  }
0x161: {  	[tilespmem:s31], [sflag:$0x1] =	stream.indirect_vreg.gather [hbm4b:s5+s3], $0x80, v4, vm0, $0xb8;
	[tilespmem:$0x1E200] =	vst v63  }
0x162: {  	s10 =	simm.s32 $0x10200  }
0x163: {  	[tilespmem:s10], [sflag:$0x1] =	stream.indirect_vreg.gather [hbm4b:s6+s3], $0x80, v4, vm0, $0xb8;
	[tilespmem:$0x1E200] =	vst v63  }
0x164: {  	s11 =	simm.s32 $0x10A00  }
0x165: {  	[tilespmem:s11], [sflag:$0x1] =	stream.indirect_vreg.gather [hbm4b:s1+s3], $0x80, v3, vm0, $0xb8;
	[tilespmem:$0x1E200] =	vst v63  }
0x166: {  	s12 =	simm.s32 $0x11200  }
0x167: {  	[tilespmem:s12], [sflag:$0x1] =	stream.indirect_vreg.gather [hbm4b:s5+s3], $0x80, v3, vm0, $0xb8;
	[tilespmem:$0x1E200] =	vst v63  }
0x168: {  	s14 =	simm.s32 $0x11A00  }
0x169: {  	[tilespmem:s14], [sflag:$0x1] =	stream.indirect_vreg.gather [hbm4b:s6+s3], $0x80, v3, vm0, $0xb8;
	[tilespmem:$0x1E200] =	vst v63  }
0x16a: {  	_ =	swait.ge [sflag:s9], $0x6000  }
0x16b: {  	[sflag:s9] =	ssyncset.done $0x0  }
0x16c: {  	s23 =	rddreg [dreg:$0x8];
	[sflag:s9] =	ssyncadd.s32 $0xFFFFA000  }
0x16d: {  	[hbm4b:s23+s3] =	stream.linear.scatter [tilespmem:s8], [sflag:$0x2], $0x6000, $0x38;
	[tilespmem:$0x1E200] =	vst v63  }
0x16e: {  	_ =	swait.ge [sflag:s25], $0x6000  }
0x16f: {  	[sflag:s25] =	ssyncset.done $0x0  }
0x170: {  	[sflag:s25] =	ssyncadd.s32 $0xFFFFA000  }
0x171: {  	v3 =	vld [tilespmem:$0x100];
	_ =	sdelay $0x4  }
0x172: {  	v48 =	vshrl.u32 v3, $0x3  }
0x173: {  	v4 =	vmul.u32 $0x30, v48  }
0x174: {  	v3 =	vand.u32 $0x7, v3  }
0x175: {  	v3 =	vor.u32 v3, v4  }
0x176: {  	v4 =	vperm.xlane v3, v0;
	_ =	sdelay $0x1  }
0x177: {  	v4 =	vadd.s32 v1, v4;
	_ =	sdelay $0x3  }
0x178: {  	v3 =	vperm.xlane v3, v2  }
0x179: {  	[tilespmem:s13], [sflag:$0x1] =	stream.indirect_vreg.gather [hbm4b:s1+s3], $0x80, v4, vm0, $0xb8;
	[tilespmem:$0x1E200] =	vst v63  }
0x17a: {  	s24 =	simm.s32 $0x12A00;
	v3 =	vadd.s32 v1, v3  }
0x17b: {  	[tilespmem:s24], [sflag:$0x1] =	stream.indirect_vreg.gather [hbm4b:s5+s3], $0x80, v4, vm0, $0xb8;
	[tilespmem:$0x1E200] =	vst v63  }
0x17c: {  	s26 =	simm.s32 $0x13200  }
0x17d: {  	[tilespmem:s26], [sflag:$0x1] =	stream.indirect_vreg.gather [hbm4b:s6+s3], $0x80, v4, vm0, $0xb8;
	[tilespmem:$0x1E200] =	vst v63  }
0x17e: {  	s29 =	simm.s32 $0x13A00  }
0x17f: {  	[tilespmem:s29], [sflag:$0x1] =	stream.indirect_vreg.gather [hbm4b:s1+s3], $0x80, v3, vm0, $0xb8;
	[tilespmem:$0x1E200] =	vst v63  }
0x180: {  	s30 =	simm.s32 $0x14200  }
0x181: {  	[tilespmem:s30], [sflag:$0x1] =	stream.indirect_vreg.gather [hbm4b:s5+s3], $0x80, v3, vm0, $0xb8;
	[tilespmem:$0x1E200] =	vst v63  }
0x182: {  	s31 =	simm.s32 $0x14A00  }
0x183: {  	[tilespmem:s31], [sflag:$0x1] =	stream.indirect_vreg.gather [hbm4b:s6+s3], $0x80, v3, vm0, $0xb8;
	[tilespmem:$0x1E200] =	vst v63  }
0x184: {  	v3 =	vld [tilespmem:$0x110];
	_ =	sdelay $0x4  }
0x185: {  	v49 =	vshrl.u32 v3, $0x3  }
0x186: {  	v4 =	vmul.u32 $0x30, v49  }
0x187: {  	v3 =	vand.u32 $0x7, v3  }
0x188: {  	v3 =	vor.u32 v3, v4  }
0x189: {  	v4 =	vperm.xlane v3, v0;
	_ =	sdelay $0x1  }
0x18a: {  	v4 =	vadd.s32 v1, v4;
	_ =	sdelay $0x3  }
0x18b: {  	s10 =	simm.s32 $0x15200;
	v3 =	vperm.xlane v3, v2  }
0x18c: {  	[tilespmem:s10], [sflag:$0x1] =	stream.indirect_vreg.gather [hbm4b:s1+s3], $0x80, v4, vm0, $0xb8;
	[tilespmem:$0x1E200] =	vst v63  }
0x18d: {  	s11 =	simm.s32 $0x15A00;
	v3 =	vadd.s32 v1, v3  }
0x18e: {  	[tilespmem:s11], [sflag:$0x1] =	stream.indirect_vreg.gather [hbm4b:s5+s3], $0x80, v4, vm0, $0xb8;
	[tilespmem:$0x1E200] =	vst v63  }
0x18f: {  	s12 =	simm.s32 $0x16200  }
0x190: {  	[tilespmem:s12], [sflag:$0x1] =	stream.indirect_vreg.gather [hbm4b:s6+s3], $0x80, v4, vm0, $0xb8;
	[tilespmem:$0x1E200] =	vst v63  }
0x191: {  	s14 =	simm.s32 $0x16A00  }
0x192: {  	[tilespmem:s14], [sflag:$0x1] =	stream.indirect_vreg.gather [hbm4b:s1+s3], $0x80, v3, vm0, $0xb8;
	[tilespmem:$0x1E200] =	vst v63  }
0x193: {  	s23 =	simm.s32 $0x17200  }
0x194: {  	[tilespmem:s23], [sflag:$0x1] =	stream.indirect_vreg.gather [hbm4b:s5+s3], $0x80, v3, vm0, $0xb8;
	[tilespmem:$0x1E200] =	vst v63  }
0x195: {  	s4 =	simm.s32 $0x17A00  }
0x196: {  	[tilespmem:s4], [sflag:$0x1] =	stream.indirect_vreg.gather [hbm4b:s6+s3], $0x80, v3, vm0, $0xb8;
	[tilespmem:$0x1E200] =	vst v63  }
0x197: {  	_ =	swait.ge [sflag:s9], $0x6000  }
0x198: {  	[sflag:s9] =	ssyncset.done $0x0  }
0x199: {  	s24 =	rddreg [dreg:$0x9];
	[sflag:s9] =	ssyncadd.s32 $0xFFFFA000  }
0x19a: {  	[hbm4b:s24+s3] =	stream.linear.scatter [tilespmem:s2], [sflag:$0x2], $0x6000, $0x38;
	[tilespmem:$0x1E200] =	vst v63  }
0x19b: {  	_ =	swait.ge [sflag:s25], $0x6000  }
0x19c: {  	[sflag:s25] =	ssyncset.done $0x0  }
0x19d: {  	[sflag:s25] =	ssyncadd.s32 $0xFFFFA000  }
0x19e: {  	v3 =	vld [tilespmem:$0x120];
	_ =	sdelay $0x4  }
0x19f: {  	v50 =	vshrl.u32 v3, $0x3  }
0x1a0: {  	v4 =	vmul.u32 $0x30, v50  }
0x1a1: {  	v3 =	vand.u32 $0x7, v3  }
0x1a2: {  	v3 =	vor.u32 v3, v4  }
0x1a3: {  	v4 =	vperm.xlane v3, v0;
	_ =	sdelay $0x1  }
0x1a4: {  	v4 =	vadd.s32 v1, v4;
	_ =	sdelay $0x3  }
0x1a5: {  	v3 =	vperm.xlane v3, v2  }
0x1a6: {  	[tilespmem:s8], [sflag:$0x1] =	stream.indirect_vreg.gather [hbm4b:s1+s3], $0x80, v4, vm0, $0xb8;
	[tilespmem:$0x1E200] =	vst v63  }
0x1a7: {  	s26 =	simm.s32 $0x18A00;
	v3 =	vadd.s32 v1, v3  }
0x1a8: {  	[tilespmem:s26], [sflag:$0x1] =	stream.indirect_vreg.gather [hbm4b:s5+s3], $0x80, v4, vm0, $0xb8;
	[tilespmem:$0x1E200] =	vst v63  }
0x1a9: {  	s0 =	simm.s32 $0x19200  }
0x1aa: {  	[tilespmem:s0], [sflag:$0x1] =	stream.indirect_vreg.gather [hbm4b:s6+s3], $0x80, v4, vm0, $0xb8;
	[tilespmem:$0x1E200] =	vst v63  }
0x1ab: {  	s11 =	simm.s32 $0x19A00  }
0x1ac: {  	[tilespmem:s11], [sflag:$0x1] =	stream.indirect_vreg.gather [hbm4b:s1+s3], $0x80, v3, vm0, $0xb8;
	[tilespmem:$0x1E200] =	vst v63  }
0x1ad: {  	s12 =	simm.s32 $0x1A200  }
0x1ae: {  	[tilespmem:s12], [sflag:$0x1] =	stream.indirect_vreg.gather [hbm4b:s5+s3], $0x80, v3, vm0, $0xb8;
	[tilespmem:$0x1E200] =	vst v63  }
0x1af: {  	s29 =	simm.s32 $0x1AA00  }
0x1b0: {  	[tilespmem:s29], [sflag:$0x1] =	stream.indirect_vreg.gather [hbm4b:s6+s3], $0x80, v3, vm0, $0xb8;
	[tilespmem:$0x1E200] =	vst v63  }
0x1b1: {  	v3 =	vld [tilespmem:$0x130];
	_ =	sdelay $0x4  }
0x1b2: {  	v51 =	vshrl.u32 v3, $0x3  }
0x1b3: {  	v4 =	vmul.u32 $0x30, v51  }
0x1b4: {  	v3 =	vand.u32 $0x7, v3  }
0x1b5: {  	v3 =	vor.u32 v3, v4  }
0x1b6: {  	v4 =	vperm.xlane v3, v0;
	_ =	sdelay $0x1  }
0x1b7: {  	v4 =	vadd.s32 v1, v4;
	_ =	sdelay $0x3  }
0x1b8: {  	s30 =	simm.s32 $0x1B200;
	v3 =	vperm.xlane v3, v2  }
0x1b9: {  	[tilespmem:s30], [sflag:$0x1] =	stream.indirect_vreg.gather [hbm4b:s1+s3], $0x80, v4, vm0, $0xb8;
	[tilespmem:$0x1E200] =	vst v63  }
0x1ba: {  	s14 =	simm.s32 $0x1BA00;
	v3 =	vadd.s32 v1, v3  }
0x1bb: {  	[tilespmem:s14], [sflag:$0x1] =	stream.indirect_vreg.gather [hbm4b:s5+s3], $0x80, v4, vm0, $0xb8;
	[tilespmem:$0x1E200] =	vst v63  }
0x1bc: {  	s23 =	simm.s32 $0x1C200  }
0x1bd: {  	[tilespmem:s23], [sflag:$0x1] =	stream.indirect_vreg.gather [hbm4b:s6+s3], $0x80, v4, vm0, $0xb8;
	[tilespmem:$0x1E200] =	vst v63  }
0x1be: {  	s24 =	simm.s32 $0x1CA00  }
0x1bf: {  	[tilespmem:s24], [sflag:$0x1] =	stream.indirect_vreg.gather [hbm4b:s1+s3], $0x80, v3, vm0, $0xb8;
	[tilespmem:$0x1E200] =	vst v63  }
0x1c0: {  	s29 =	simm.s32 $0x1D200  }
0x1c1: {  	[tilespmem:s29], [sflag:$0x1] =	stream.indirect_vreg.gather [hbm4b:s5+s3], $0x80, v3, vm0, $0xb8;
	[tilespmem:$0x1E200] =	vst v63  }
0x1c2: {  	s31 =	simm.s32 $0x1DA00  }
0x1c3: {  	[tilespmem:s31], [sflag:$0x1] =	stream.indirect_vreg.gather [hbm4b:s6+s3], $0x80, v3, vm0, $0xb8;
	[tilespmem:$0x1E200] =	vst v63  }
0x1c4: {  	_ =	swait.ge [sflag:s9], $0x6000  }
0x1c5: {  	[sflag:s9] =	ssyncset.done $0x0  }
0x1c6: {  	s10 =	rddreg [dreg:$0xa];
	[sflag:s9] =	ssyncadd.s32 $0xFFFFA000  }
0x1c7: {  	[hbm4b:s10+s3] =	stream.linear.scatter [tilespmem:s28], [sflag:$0x2], $0x6000, $0x38;
	[tilespmem:$0x1E200] =	vst v63  }
0x1c8: {  	_ =	swait.ge [sflag:s25], $0x6000  }
0x1c9: {  	[sflag:s25] =	ssyncset.done $0x0  }
0x1ca: {  	[sflag:s25] =	ssyncadd.s32 $0xFFFFA000  }
0x1cb: {  	v3 =	vld [tilespmem:$0x140];
	_ =	sdelay $0x4  }
0x1cc: {  	v52 =	vshrl.u32 v3, $0x3  }
0x1cd: {  	v4 =	vmul.u32 $0x30, v52  }
0x1ce: {  	v3 =	vand.u32 $0x7, v3  }
0x1cf: {  	v3 =	vor.u32 v3, v4  }
0x1d0: {  	v4 =	vperm.xlane v3, v0;
	_ =	sdelay $0x1  }
0x1d1: {  	v4 =	vadd.s32 v1, v4;
	_ =	sdelay $0x3  }
0x1d2: {  	v3 =	vperm.xlane v3, v2  }
0x1d3: {  	[tilespmem:s2], [sflag:$0x1] =	stream.indirect_vreg.gather [hbm4b:s1+s3], $0x80, v4, vm0, $0xb8;
	[tilespmem:$0x1E200] =	vst v63  }
0x1d4: {  	v3 =	vadd.s32 v1, v3  }
0x1d5: {  	[tilespmem:s15], [sflag:$0x1] =	stream.indirect_vreg.gather [hbm4b:s5+s3], $0x80, v4, vm0, $0xb8;
	[tilespmem:$0x1E200] =	vst v63  }
0x1d6: {  	_ = 	snop  }
0x1d7: {  	[tilespmem:s16], [sflag:$0x1] =	stream.indirect_vreg.gather [hbm4b:s6+s3], $0x80, v4, vm0, $0xb8;
	[tilespmem:$0x1E200] =	vst v63  }
0x1d8: {  	_ = 	snop  }
0x1d9: {  	[tilespmem:s17], [sflag:$0x1] =	stream.indirect_vreg.gather [hbm4b:s1+s3], $0x80, v3, vm0, $0xb8;
	[tilespmem:$0x1E200] =	vst v63  }
0x1da: {  	_ = 	snop  }
0x1db: {  	[tilespmem:s18], [sflag:$0x1] =	stream.indirect_vreg.gather [hbm4b:s5+s3], $0x80, v3, vm0, $0xb8;
	[tilespmem:$0x1E200] =	vst v63  }
0x1dc: {  	s30 =	simm.s32 $0x2A00  }
0x1dd: {  	[tilespmem:s30], [sflag:$0x1] =	stream.indirect_vreg.gather [hbm4b:s6+s3], $0x80, v3, vm0, $0xb8;
	[tilespmem:$0x1E200] =	vst v63  }
0x1de: {  	v3 =	vld [tilespmem:$0x150];
	_ =	sdelay $0x4  }
0x1df: {  	v53 =	vshrl.u32 v3, $0x3  }
0x1e0: {  	v4 =	vmul.u32 $0x30, v53  }
0x1e1: {  	v3 =	vand.u32 $0x7, v3  }
0x1e2: {  	v3 =	vor.u32 v3, v4  }
0x1e3: {  	v4 =	vperm.xlane v3, v0;
	_ =	sdelay $0x1  }
0x1e4: {  	v4 =	vadd.s32 v1, v4;
	_ =	sdelay $0x3  }
0x1e5: {  	s31 =	simm.s32 $0x3200;
	v3 =	vperm.xlane v3, v2  }
0x1e6: {  	[tilespmem:s31], [sflag:$0x1] =	stream.indirect_vreg.gather [hbm4b:s1+s3], $0x80, v4, vm0, $0xb8;
	[tilespmem:$0x1E200] =	vst v63  }
0x1e7: {  	v3 =	vadd.s32 v1, v3  }
0x1e8: {  	[tilespmem:s19], [sflag:$0x1] =	stream.indirect_vreg.gather [hbm4b:s5+s3], $0x80, v4, vm0, $0xb8;
	[tilespmem:$0x1E200] =	vst v63  }
0x1e9: {  	_ = 	snop  }
0x1ea: {  	[tilespmem:s20], [sflag:$0x1] =	stream.indirect_vreg.gather [hbm4b:s6+s3], $0x80, v4, vm0, $0xb8;
	[tilespmem:$0x1E200] =	vst v63  }
0x1eb: {  	_ = 	snop  }
0x1ec: {  	[tilespmem:s21], [sflag:$0x1] =	stream.indirect_vreg.gather [hbm4b:s1+s3], $0x80, v3, vm0, $0xb8;
	[tilespmem:$0x1E200] =	vst v63  }
0x1ed: {  	_ = 	snop  }
0x1ee: {  	[tilespmem:s22], [sflag:$0x1] =	stream.indirect_vreg.gather [hbm4b:s5+s3], $0x80, v3, vm0, $0xb8;
	[tilespmem:$0x1E200] =	vst v63  }
0x1ef: {  	s4 =	simm.s32 $0x5A00  }
0x1f0: {  	[tilespmem:s4], [sflag:$0x1] =	stream.indirect_vreg.gather [hbm4b:s6+s3], $0x80, v3, vm0, $0xb8;
	[tilespmem:$0x1E200] =	vst v63  }
0x1f1: {  	_ =	swait.ge [sflag:s9], $0x6000  }
0x1f2: {  	[sflag:s9] =	ssyncset.done $0x0  }
0x1f3: {  	s10 =	simm.s32 $0xC200;
	s26 =	rddreg [dreg:$0xb];
	[sflag:s9] =	ssyncadd.s32 $0xFFFFA000  }
0x1f4: {  	[hbm4b:s26+s3] =	stream.linear.scatter [tilespmem:s10], [sflag:$0x2], $0x6000, $0x38;
	[tilespmem:$0x1E200] =	vst v63  }
0x1f5: {  	_ =	swait.ge [sflag:s25], $0x6000  }
0x1f6: {  	[sflag:s25] =	ssyncset.done $0x0  }
0x1f7: {  	[sflag:s25] =	ssyncadd.s32 $0xFFFFA000  }
0x1f8: {  	v3 =	vld [tilespmem:$0x160];
	_ =	sdelay $0x4  }
0x1f9: {  	v54 =	vshrl.u32 v3, $0x3  }
0x1fa: {  	v4 =	vmul.u32 $0x30, v54  }
0x1fb: {  	v3 =	vand.u32 $0x7, v3  }
0x1fc: {  	v3 =	vor.u32 v3, v4  }
0x1fd: {  	v4 =	vperm.xlane v3, v0;
	_ =	sdelay $0x1  }
0x1fe: {  	v4 =	vadd.s32 v1, v4;
	_ =	sdelay $0x3  }
0x1ff: {  	v3 =	vperm.xlane v3, v2  }
0x200: {  	[tilespmem:s28], [sflag:$0x1] =	stream.indirect_vreg.gather [hbm4b:s1+s3], $0x80, v4, vm0, $0xb8;
	[tilespmem:$0x1E200] =	vst v63  }
0x201: {  	s26 =	simm.s32 $0x6A00;
	v3 =	vadd.s32 v1, v3  }
0x202: {  	[tilespmem:s26], [sflag:$0x1] =	stream.indirect_vreg.gather [hbm4b:s5+s3], $0x80, v4, vm0, $0xb8;
	[tilespmem:$0x1E200] =	vst v63  }
0x203: {  	s26 =	simm.s32 $0x7200  }
0x204: {  	[tilespmem:s26], [sflag:$0x1] =	stream.indirect_vreg.gather [hbm4b:s6+s3], $0x80, v4, vm0, $0xb8;
	[tilespmem:$0x1E200] =	vst v63  }
0x205: {  	s26 =	simm.s32 $0x7A00  }
0x206: {  	[tilespmem:s26], [sflag:$0x1] =	stream.indirect_vreg.gather [hbm4b:s1+s3], $0x80, v3, vm0, $0xb8;
	[tilespmem:$0x1E200] =	vst v63  }
0x207: {  	s26 =	simm.s32 $0x8200  }
0x208: {  	[tilespmem:s26], [sflag:$0x1] =	stream.indirect_vreg.gather [hbm4b:s5+s3], $0x80, v3, vm0, $0xb8;
	[tilespmem:$0x1E200] =	vst v63  }
0x209: {  	s26 =	simm.s32 $0x8A00  }
0x20a: {  	[tilespmem:s26], [sflag:$0x1] =	stream.indirect_vreg.gather [hbm4b:s6+s3], $0x80, v3, vm0, $0xb8;
	[tilespmem:$0x1E200] =	vst v63  }
0x20b: {  	v3 =	vld [tilespmem:$0x170];
	_ =	sdelay $0x4  }
0x20c: {  	v55 =	vshrl.u32 v3, $0x3  }
0x20d: {  	v4 =	vmul.u32 $0x30, v55  }
0x20e: {  	v3 =	vand.u32 $0x7, v3  }
0x20f: {  	v3 =	vor.u32 v3, v4  }
0x210: {  	v4 =	vperm.xlane v3, v0;
	_ =	sdelay $0x1  }
0x211: {  	v4 =	vadd.s32 v1, v4;
	_ =	sdelay $0x3  }
0x212: {  	s26 =	simm.s32 $0x9200;
	v3 =	vperm.xlane v3, v2  }
0x213: {  	[tilespmem:s26], [sflag:$0x1] =	stream.indirect_vreg.gather [hbm4b:s1+s3], $0x80, v4, vm0, $0xb8;
	[tilespmem:$0x1E200] =	vst v63  }
0x214: {  	v3 =	vadd.s32 v1, v3;
	s26 =	simm.s32 $0x9A00  }
0x215: {  	[tilespmem:s26], [sflag:$0x1] =	stream.indirect_vreg.gather [hbm4b:s5+s3], $0x80, v4, vm0, $0xb8;
	[tilespmem:$0x1E200] =	vst v63  }
0x216: {  	s26 =	simm.s32 $0xA200  }
0x217: {  	[tilespmem:s26], [sflag:$0x1] =	stream.indirect_vreg.gather [hbm4b:s6+s3], $0x80, v4, vm0, $0xb8;
	[tilespmem:$0x1E200] =	vst v63  }
0x218: {  	s26 =	simm.s32 $0xAA00  }
0x219: {  	[tilespmem:s26], [sflag:$0x1] =	stream.indirect_vreg.gather [hbm4b:s1+s3], $0x80, v3, vm0, $0xb8;
	[tilespmem:$0x1E200] =	vst v63  }
0x21a: {  	s26 =	simm.s32 $0xB200  }
0x21b: {  	[tilespmem:s26], [sflag:$0x1] =	stream.indirect_vreg.gather [hbm4b:s5+s3], $0x80, v3, vm0, $0xb8;
	[tilespmem:$0x1E200] =	vst v63  }
0x21c: {  	s26 =	simm.s32 $0xBA00  }
0x21d: {  	[tilespmem:s26], [sflag:$0x1] =	stream.indirect_vreg.gather [hbm4b:s6+s3], $0x80, v3, vm0, $0xb8;
	[tilespmem:$0x1E200] =	vst v63  }
0x21e: {  	_ =	swait.ge [sflag:s9], $0x6000  }
0x21f: {  	[sflag:s9] =	ssyncset.done $0x0  }
0x220: {  	s26 =	rddreg [dreg:$0xc];
	[sflag:s9] =	ssyncadd.s32 $0xFFFFA000  }
0x221: {  	[hbm4b:s26+s3] =	stream.linear.scatter [tilespmem:s13], [sflag:$0x2], $0x6000, $0x38;
	[tilespmem:$0x1E200] =	vst v63  }
0x222: {  	_ =	swait.ge [sflag:s25], $0x6000  }
0x223: {  	[sflag:s25] =	ssyncset.done $0x0  }
0x224: {  	[sflag:s25] =	ssyncadd.s32 $0xFFFFA000  }
0x225: {  	v3 =	vld [tilespmem:$0x180];
	_ =	sdelay $0x4  }
0x226: {  	v56 =	vshrl.u32 v3, $0x3  }
0x227: {  	v4 =	vmul.u32 $0x30, v56  }
0x228: {  	v3 =	vand.u32 $0x7, v3  }
0x229: {  	v3 =	vor.u32 v3, v4  }
0x22a: {  	v4 =	vperm.xlane v3, v0;
	_ =	sdelay $0x1  }
0x22b: {  	v4 =	vadd.s32 v1, v4;
	_ =	sdelay $0x3  }
0x22c: {  	v3 =	vperm.xlane v3, v2  }
0x22d: {  	[tilespmem:s10], [sflag:$0x1] =	stream.indirect_vreg.gather [hbm4b:s1+s3], $0x80, v4, vm0, $0xb8;
	[tilespmem:$0x1E200] =	vst v63  }
0x22e: {  	s26 =	simm.s32 $0xCA00;
	v3 =	vadd.s32 v1, v3  }
0x22f: {  	[tilespmem:s26], [sflag:$0x1] =	stream.indirect_vreg.gather [hbm4b:s5+s3], $0x80, v4, vm0, $0xb8;
	[tilespmem:$0x1E200] =	vst v63  }
0x230: {  	s26 =	simm.s32 $0xD200  }
0x231: {  	[tilespmem:s26], [sflag:$0x1] =	stream.indirect_vreg.gather [hbm4b:s6+s3], $0x80, v4, vm0, $0xb8;
	[tilespmem:$0x1E200] =	vst v63  }
0x232: {  	s26 =	simm.s32 $0xDA00  }
0x233: {  	[tilespmem:s26], [sflag:$0x1] =	stream.indirect_vreg.gather [hbm4b:s1+s3], $0x80, v3, vm0, $0xb8;
	[tilespmem:$0x1E200] =	vst v63  }
0x234: {  	s26 =	simm.s32 $0xE200  }
0x235: {  	[tilespmem:s26], [sflag:$0x1] =	stream.indirect_vreg.gather [hbm4b:s5+s3], $0x80, v3, vm0, $0xb8;
	[tilespmem:$0x1E200] =	vst v63  }
0x236: {  	s26 =	simm.s32 $0xEA00  }
0x237: {  	[tilespmem:s26], [sflag:$0x1] =	stream.indirect_vreg.gather [hbm4b:s6+s3], $0x80, v3, vm0, $0xb8;
	[tilespmem:$0x1E200] =	vst v63  }
0x238: {  	v3 =	vld [tilespmem:$0x190];
	_ =	sdelay $0x4  }
0x239: {  	v57 =	vshrl.u32 v3, $0x3  }
0x23a: {  	v4 =	vmul.u32 $0x30, v57  }
0x23b: {  	v3 =	vand.u32 $0x7, v3  }
0x23c: {  	v3 =	vor.u32 v3, v4  }
0x23d: {  	v4 =	vperm.xlane v3, v0;
	_ =	sdelay $0x1  }
0x23e: {  	v4 =	vadd.s32 v1, v4;
	_ =	sdelay $0x3  }
0x23f: {  	s26 =	simm.s32 $0xF200;
	v3 =	vperm.xlane v3, v2  }
0x240: {  	[tilespmem:s26], [sflag:$0x1] =	stream.indirect_vreg.gather [hbm4b:s1+s3], $0x80, v4, vm0, $0xb8;
	[tilespmem:$0x1E200] =	vst v63  }
0x241: {  	v3 =	vadd.s32 v1, v3;
	s26 =	simm.s32 $0xFA00  }
0x242: {  	[tilespmem:s26], [sflag:$0x1] =	stream.indirect_vreg.gather [hbm4b:s5+s3], $0x80, v4, vm0, $0xb8;
	[tilespmem:$0x1E200] =	vst v63  }
0x243: {  	s26 =	simm.s32 $0x10200  }
0x244: {  	[tilespmem:s26], [sflag:$0x1] =	stream.indirect_vreg.gather [hbm4b:s6+s3], $0x80, v4, vm0, $0xb8;
	[tilespmem:$0x1E200] =	vst v63  }
0x245: {  	s26 =	simm.s32 $0x10A00  }
0x246: {  	[tilespmem:s26], [sflag:$0x1] =	stream.indirect_vreg.gather [hbm4b:s1+s3], $0x80, v3, vm0, $0xb8;
	[tilespmem:$0x1E200] =	vst v63  }
0x247: {  	s26 =	simm.s32 $0x11200  }
0x248: {  	[tilespmem:s26], [sflag:$0x1] =	stream.indirect_vreg.gather [hbm4b:s5+s3], $0x80, v3, vm0, $0xb8;
	[tilespmem:$0x1E200] =	vst v63  }
0x249: {  	s26 =	simm.s32 $0x11A00  }
0x24a: {  	[tilespmem:s26], [sflag:$0x1] =	stream.indirect_vreg.gather [hbm4b:s6+s3], $0x80, v3, vm0, $0xb8;
	[tilespmem:$0x1E200] =	vst v63  }
0x24b: {  	_ =	swait.ge [sflag:s9], $0x6000  }
0x24c: {  	[sflag:s9] =	ssyncset.done $0x0  }
0x24d: {  	s26 =	rddreg [dreg:$0xd];
	[sflag:s9] =	ssyncadd.s32 $0xFFFFA000  }
0x24e: {  	[hbm4b:s26+s3] =	stream.linear.scatter [tilespmem:s8], [sflag:$0x2], $0x6000, $0x38;
	[tilespmem:$0x1E200] =	vst v63  }
0x24f: {  	_ =	swait.ge [sflag:s25], $0x6000  }
0x250: {  	[sflag:s25] =	ssyncset.done $0x0  }
0x251: {  	[sflag:s25] =	ssyncadd.s32 $0xFFFFA000  }
0x252: {  	v3 =	vld [tilespmem:$0x1A0];
	_ =	sdelay $0x4  }
0x253: {  	v58 =	vshrl.u32 v3, $0x3  }
0x254: {  	v4 =	vmul.u32 $0x30, v58  }
0x255: {  	v3 =	vand.u32 $0x7, v3  }
0x256: {  	v3 =	vor.u32 v3, v4  }
0x257: {  	v4 =	vperm.xlane v3, v0;
	_ =	sdelay $0x1  }
0x258: {  	v4 =	vadd.s32 v1, v4;
	_ =	sdelay $0x3  }
0x259: {  	v3 =	vperm.xlane v3, v2  }
0x25a: {  	[tilespmem:s13], [sflag:$0x1] =	stream.indirect_vreg.gather [hbm4b:s1+s3], $0x80, v4, vm0, $0xb8;
	[tilespmem:$0x1E200] =	vst v63  }
0x25b: {  	s26 =	simm.s32 $0x12A00;
	v3 =	vadd.s32 v1, v3  }
0x25c: {  	[tilespmem:s26], [sflag:$0x1] =	stream.indirect_vreg.gather [hbm4b:s5+s3], $0x80, v4, vm0, $0xb8;
	[tilespmem:$0x1E200] =	vst v63  }
0x25d: {  	s26 =	simm.s32 $0x13200  }
0x25e: {  	[tilespmem:s26], [sflag:$0x1] =	stream.indirect_vreg.gather [hbm4b:s6+s3], $0x80, v4, vm0, $0xb8;
	[tilespmem:$0x1E200] =	vst v63  }
0x25f: {  	s26 =	simm.s32 $0x13A00  }
0x260: {  	[tilespmem:s26], [sflag:$0x1] =	stream.indirect_vreg.gather [hbm4b:s1+s3], $0x80, v3, vm0, $0xb8;
	[tilespmem:$0x1E200] =	vst v63  }
0x261: {  	s26 =	simm.s32 $0x14200  }
0x262: {  	[tilespmem:s26], [sflag:$0x1] =	stream.indirect_vreg.gather [hbm4b:s5+s3], $0x80, v3, vm0, $0xb8;
	[tilespmem:$0x1E200] =	vst v63  }
0x263: {  	s26 =	simm.s32 $0x14A00  }
0x264: {  	[tilespmem:s26], [sflag:$0x1] =	stream.indirect_vreg.gather [hbm4b:s6+s3], $0x80, v3, vm0, $0xb8;
	[tilespmem:$0x1E200] =	vst v63  }
0x265: {  	v3 =	vld [tilespmem:$0x1B0];
	_ =	sdelay $0x4  }
0x266: {  	v59 =	vshrl.u32 v3, $0x3  }
0x267: {  	v4 =	vmul.u32 $0x30, v59  }
0x268: {  	v3 =	vand.u32 $0x7, v3  }
0x269: {  	v3 =	vor.u32 v3, v4  }
0x26a: {  	v4 =	vperm.xlane v3, v0;
	_ =	sdelay $0x1  }
0x26b: {  	v4 =	vadd.s32 v1, v4;
	_ =	sdelay $0x3  }
0x26c: {  	s26 =	simm.s32 $0x15200;
	v3 =	vperm.xlane v3, v2  }
0x26d: {  	[tilespmem:s26], [sflag:$0x1] =	stream.indirect_vreg.gather [hbm4b:s1+s3], $0x80, v4, vm0, $0xb8;
	[tilespmem:$0x1E200] =	vst v63  }
0x26e: {  	v3 =	vadd.s32 v1, v3;
	s26 =	simm.s32 $0x15A00  }
0x26f: {  	[tilespmem:s26], [sflag:$0x1] =	stream.indirect_vreg.gather [hbm4b:s5+s3], $0x80, v4, vm0, $0xb8;
	[tilespmem:$0x1E200] =	vst v63  }
0x270: {  	s26 =	simm.s32 $0x16200  }
0x271: {  	[tilespmem:s26], [sflag:$0x1] =	stream.indirect_vreg.gather [hbm4b:s6+s3], $0x80, v4, vm0, $0xb8;
	[tilespmem:$0x1E200] =	vst v63  }
0x272: {  	s26 =	simm.s32 $0x16A00  }
0x273: {  	[tilespmem:s26], [sflag:$0x1] =	stream.indirect_vreg.gather [hbm4b:s1+s3], $0x80, v3, vm0, $0xb8;
	[tilespmem:$0x1E200] =	vst v63  }
0x274: {  	s26 =	simm.s32 $0x17200  }
0x275: {  	[tilespmem:s26], [sflag:$0x1] =	stream.indirect_vreg.gather [hbm4b:s5+s3], $0x80, v3, vm0, $0xb8;
	[tilespmem:$0x1E200] =	vst v63  }
0x276: {  	s26 =	simm.s32 $0x17A00  }
0x277: {  	[tilespmem:s26], [sflag:$0x1] =	stream.indirect_vreg.gather [hbm4b:s6+s3], $0x80, v3, vm0, $0xb8;
	[tilespmem:$0x1E200] =	vst v63  }
0x278: {  	_ =	swait.ge [sflag:s9], $0x6000  }
0x279: {  	[sflag:s9] =	ssyncset.done $0x0  }
0x27a: {  	s26 =	rddreg [dreg:$0xe];
	[sflag:s9] =	ssyncadd.s32 $0xFFFFA000  }
0x27b: {  	[hbm4b:s26+s3] =	stream.linear.scatter [tilespmem:s2], [sflag:$0x2], $0x6000, $0x38;
	[tilespmem:$0x1E200] =	vst v63  }
0x27c: {  	_ =	swait.ge [sflag:s25], $0x6000  }
0x27d: {  	[sflag:s25] =	ssyncset.done $0x0  }
0x27e: {  	[sflag:s25] =	ssyncadd.s32 $0xFFFFA000  }
0x27f: {  	v3 =	vld [tilespmem:$0x1C0];
	_ =	sdelay $0x4  }
0x280: {  	v60 =	vshrl.u32 v3, $0x3  }
0x281: {  	v4 =	vmul.u32 $0x30, v60  }
0x282: {  	v3 =	vand.u32 $0x7, v3  }
0x283: {  	v3 =	vor.u32 v3, v4  }
0x284: {  	v4 =	vperm.xlane v3, v0;
	_ =	sdelay $0x1  }
0x285: {  	v4 =	vadd.s32 v1, v4;
	_ =	sdelay $0x3  }
0x286: {  	v3 =	vperm.xlane v3, v2  }
0x287: {  	[tilespmem:s8], [sflag:$0x1] =	stream.indirect_vreg.gather [hbm4b:s1+s3], $0x80, v4, vm0, $0xb8;
	[tilespmem:$0x1E200] =	vst v63  }
0x288: {  	s26 =	simm.s32 $0x18A00;
	v3 =	vadd.s32 v1, v3  }
0x289: {  	[tilespmem:s26], [sflag:$0x1] =	stream.indirect_vreg.gather [hbm4b:s5+s3], $0x80, v4, vm0, $0xb8;
	[tilespmem:$0x1E200] =	vst v63  }
0x28a: {  	_ = 	snop  }
0x28b: {  	[tilespmem:s0], [sflag:$0x1] =	stream.indirect_vreg.gather [hbm4b:s6+s3], $0x80, v4, vm0, $0xb8;
	[tilespmem:$0x1E200] =	vst v63  }
0x28c: {  	_ = 	snop  }
0x28d: {  	[tilespmem:s11], [sflag:$0x1] =	stream.indirect_vreg.gather [hbm4b:s1+s3], $0x80, v3, vm0, $0xb8;
	[tilespmem:$0x1E200] =	vst v63  }
0x28e: {  	_ = 	snop  }
0x28f: {  	[tilespmem:s12], [sflag:$0x1] =	stream.indirect_vreg.gather [hbm4b:s5+s3], $0x80, v3, vm0, $0xb8;
	[tilespmem:$0x1E200] =	vst v63  }
0x290: {  	s11 =	simm.s32 $0x1AA00  }
0x291: {  	[tilespmem:s11], [sflag:$0x1] =	stream.indirect_vreg.gather [hbm4b:s6+s3], $0x80, v3, vm0, $0xb8;
	[tilespmem:$0x1E200] =	vst v63  }
0x292: {  	v3 =	vld [tilespmem:$0x1D0];
	_ =	sdelay $0x4  }
0x293: {  	v61 =	vshrl.u32 v3, $0x3  }
0x294: {  	v4 =	vmul.u32 $0x30, v61  }
0x295: {  	v3 =	vand.u32 $0x7, v3  }
0x296: {  	v3 =	vor.u32 v3, v4  }
0x297: {  	v4 =	vperm.xlane v3, v0;
	_ =	sdelay $0x1  }
0x298: {  	v4 =	vadd.s32 v1, v4;
	_ =	sdelay $0x3  }
0x299: {  	s12 =	simm.s32 $0x1B200;
	v3 =	vperm.xlane v3, v2  }
0x29a: {  	[tilespmem:s12], [sflag:$0x1] =	stream.indirect_vreg.gather [hbm4b:s1+s3], $0x80, v4, vm0, $0xb8;
	[tilespmem:$0x1E200] =	vst v63  }
0x29b: {  	v3 =	vadd.s32 v1, v3  }
0x29c: {  	[tilespmem:s14], [sflag:$0x1] =	stream.indirect_vreg.gather [hbm4b:s5+s3], $0x80, v4, vm0, $0xb8;
	[tilespmem:$0x1E200] =	vst v63  }
0x29d: {  	_ = 	snop  }
0x29e: {  	[tilespmem:s23], [sflag:$0x1] =	stream.indirect_vreg.gather [hbm4b:s6+s3], $0x80, v4, vm0, $0xb8;
	[tilespmem:$0x1E200] =	vst v63  }
0x29f: {  	_ = 	snop  }
0x2a0: {  	[tilespmem:s24], [sflag:$0x1] =	stream.indirect_vreg.gather [hbm4b:s1+s3], $0x80, v3, vm0, $0xb8;
	[tilespmem:$0x1E200] =	vst v63  }
0x2a1: {  	_ = 	snop  }
0x2a2: {  	[tilespmem:s29], [sflag:$0x1] =	stream.indirect_vreg.gather [hbm4b:s5+s3], $0x80, v3, vm0, $0xb8;
	[tilespmem:$0x1E200] =	vst v63  }
0x2a3: {  	s23 =	simm.s32 $0x1DA00  }
0x2a4: {  	[tilespmem:s23], [sflag:$0x1] =	stream.indirect_vreg.gather [hbm4b:s6+s3], $0x80, v3, vm0, $0xb8;
	[tilespmem:$0x1E200] =	vst v63  }
0x2a5: {  	_ =	swait.ge [sflag:s9], $0x6000  }
0x2a6: {  	[sflag:s9] =	ssyncset.done $0x0  }
0x2a7: {  	s24 =	rddreg [dreg:$0xf];
	[sflag:s9] =	ssyncadd.s32 $0xFFFFA000  }
0x2a8: {  	[hbm4b:s24+s3] =	stream.linear.scatter [tilespmem:s28], [sflag:$0x2], $0x6000, $0x38;
	[tilespmem:$0x1E200] =	vst v63  }
0x2a9: {  	_ =	swait.ge [sflag:s25], $0x6000  }
0x2aa: {  	[sflag:s25] =	ssyncset.done $0x0  }
0x2ab: {  	[sflag:s25] =	ssyncadd.s32 $0xFFFFA000  }
0x2ac: {  	v3 =	vld [tilespmem:$0x1E0];
	_ =	sdelay $0x4  }
0x2ad: {  	v62 =	vshrl.u32 v3, $0x3  }
0x2ae: {  	v4 =	vmul.u32 $0x30, v62  }
0x2af: {  	v3 =	vand.u32 $0x7, v3  }
0x2b0: {  	v3 =	vor.u32 v3, v4  }
0x2b1: {  	v4 =	vperm.xlane v3, v0;
	_ =	sdelay $0x1  }
0x2b2: {  	v4 =	vadd.s32 v1, v4;
	_ =	sdelay $0x3  }
0x2b3: {  	v3 =	vperm.xlane v3, v2  }
0x2b4: {  	[tilespmem:s2], [sflag:$0x1] =	stream.indirect_vreg.gather [hbm4b:s1+s3], $0x80, v4, vm0, $0xb8;
	[tilespmem:$0x1E200] =	vst v63  }
0x2b5: {  	s15 =	simm.s32 $0xA00;
	v3 =	vadd.s32 v1, v3  }
0x2b6: {  	[tilespmem:s15], [sflag:$0x1] =	stream.indirect_vreg.gather [hbm4b:s5+s3], $0x80, v4, vm0, $0xb8;
	[tilespmem:$0x1E200] =	vst v63  }
0x2b7: {  	s16 =	simm.s32 $0x1200  }
0x2b8: {  	[tilespmem:s16], [sflag:$0x1] =	stream.indirect_vreg.gather [hbm4b:s6+s3], $0x80, v4, vm0, $0xb8;
	[tilespmem:$0x1E200] =	vst v63  }
0x2b9: {  	s17 =	simm.s32 $0x1A00  }
0x2ba: {  	[tilespmem:s17], [sflag:$0x1] =	stream.indirect_vreg.gather [hbm4b:s1+s3], $0x80, v3, vm0, $0xb8;
	[tilespmem:$0x1E200] =	vst v63  }
0x2bb: {  	s18 =	simm.s32 $0x2200  }
0x2bc: {  	[tilespmem:s18], [sflag:$0x1] =	stream.indirect_vreg.gather [hbm4b:s5+s3], $0x80, v3, vm0, $0xb8;
	[tilespmem:$0x1E200] =	vst v63  }
0x2bd: {  	_ = 	snop  }
0x2be: {  	[tilespmem:s30], [sflag:$0x1] =	stream.indirect_vreg.gather [hbm4b:s6+s3], $0x80, v3, vm0, $0xb8;
	[tilespmem:$0x1E200] =	vst v63  }
0x2bf: {  	v3 =	vld [tilespmem:$0x1F0];
	_ =	sdelay $0x4  }
0x2c0: {  	v63 =	vshrl.u32 v3, $0x3  }
0x2c1: {  	v4 =	vmul.u32 $0x30, v63  }
0x2c2: {  	v3 =	vand.u32 $0x7, v3  }
0x2c3: {  	v3 =	vor.u32 v3, v4  }
0x2c4: {  	v4 =	vperm.xlane v3, v0;
	_ =	sdelay $0x1  }
0x2c5: {  	v4 =	vadd.s32 v1, v4;
	_ =	sdelay $0x3  }
0x2c6: {  	v3 =	vperm.xlane v3, v2  }
0x2c7: {  	[tilespmem:s31], [sflag:$0x1] =	stream.indirect_vreg.gather [hbm4b:s1+s3], $0x80, v4, vm0, $0xb8;
	[tilespmem:$0x1E200] =	vst v63  }
0x2c8: {  	s19 =	simm.s32 $0x3A00;
	v3 =	vadd.s32 v1, v3  }
0x2c9: {  	[tilespmem:s19], [sflag:$0x1] =	stream.indirect_vreg.gather [hbm4b:s5+s3], $0x80, v4, vm0, $0xb8;
	[tilespmem:$0x1E200] =	vst v63  }
0x2ca: {  	s20 =	simm.s32 $0x4200  }
0x2cb: {  	[tilespmem:s20], [sflag:$0x1] =	stream.indirect_vreg.gather [hbm4b:s6+s3], $0x80, v4, vm0, $0xb8;
	[tilespmem:$0x1E200] =	vst v63  }
0x2cc: {  	s21 =	simm.s32 $0x4A00  }
0x2cd: {  	[tilespmem:s21], [sflag:$0x1] =	stream.indirect_vreg.gather [hbm4b:s1+s3], $0x80, v3, vm0, $0xb8;
	[tilespmem:$0x1E200] =	vst v63  }
0x2ce: {  	s22 =	simm.s32 $0x5200  }
0x2cf: {  	[tilespmem:s22], [sflag:$0x1] =	stream.indirect_vreg.gather [hbm4b:s5+s3], $0x80, v3, vm0, $0xb8;
	[tilespmem:$0x1E200] =	vst v63  }
0x2d0: {  	_ = 	snop  }
0x2d1: {  	[tilespmem:s4], [sflag:$0x1] =	stream.indirect_vreg.gather [hbm4b:s6+s3], $0x80, v3, vm0, $0xb8;
	[tilespmem:$0x1E200] =	vst v63  }
0x2d2: {  	_ =	swait.ge [sflag:s9], $0x6000  }
0x2d3: {  	[sflag:s9] =	ssyncset.done $0x0  }
0x2d4: {  	s10 =	simm.s32 $0xC200;
	s28 =	rddreg [dreg:$0x10];
	[sflag:s9] =	ssyncadd.s32 $0xFFFFA000  }
0x2d5: {  	[hbm4b:s28+s3] =	stream.linear.scatter [tilespmem:s10], [sflag:$0x2], $0x6000, $0x38;
	[tilespmem:$0x1E200] =	vst v63  }
0x2d6: {  	_ =	swait.ge [sflag:s9], $0x6000  }
0x2d7: {  	[sflag:s9] =	ssyncset.done $0x0  }
0x2d8: {  	s29 =	rddreg [dreg:$0x11];
	[sflag:s9] =	ssyncadd.s32 $0xFFFFA000  }
0x2d9: {  	[hbm4b:s29+s3] =	stream.linear.scatter [tilespmem:s13], [sflag:$0x2], $0x6000, $0x38;
	[tilespmem:$0x1E200] =	vst v63  }
0x2da: {  	_ =	swait.ge [sflag:s9], $0x6000  }
0x2db: {  	[sflag:s9] =	ssyncset.done $0x0  }
0x2dc: {  	s30 =	rddreg [dreg:$0x12];
	[sflag:s9] =	ssyncadd.s32 $0xFFFFA000  }
0x2dd: {  	[hbm4b:s30+s3] =	stream.linear.scatter [tilespmem:s8], [sflag:$0x2], $0x6000, $0x38;
	[tilespmem:$0x1E200] =	vst v63  }
0x2de: {  	_ =	swait.ge [sflag:s9], $0x6000  }
0x2df: {  	[sflag:s9] =	ssyncset.done $0x0  }
0x2e0: {  	s31 =	rddreg [dreg:$0x13];
	[sflag:s9] =	ssyncadd.s32 $0xFFFFA000  }
0x2e1: {  	[hbm4b:s31+s3] =	stream.linear.scatter [tilespmem:s2], [sflag:$0x2], $0x6000, $0x38;
	[tilespmem:$0x1E200] =	vst v63  }
0x2e2: {  	_ =	swait.ge [sflag:s25], $0x6000  }
0x2e3: {  	[sflag:s25] =	ssyncset.done $0x0  }
0x2e4: {  	[sflag:s25] =	ssyncadd.s32 $0xFFFFA000  }
0x2e5: {  	_ =	swait.ge [sflag:s25], $0x6000  }
0x2e6: {  	[sflag:s25] =	ssyncset.done $0x0  }
0x2e7: {  	[sflag:s25] =	ssyncadd.s32 $0xFFFFA000  }
0x2e8: {  	_ =	swait.ge [sflag:s25], $0x6000  }
0x2e9: {  	[sflag:s25] =	ssyncset.done $0x0  }
0x2ea: {  	[sflag:s25] =	ssyncadd.s32 $0xFFFFA000  }
0x2eb: {  	p0 =	sne.s32 s7, $0x1;
	_ =	swait.ge [sflag:s25], $0x6000  }
.Ltmp0:
0x2ec: {  	[sflag:s25] =	ssyncset.done $0x0;
	(pc) =	sbr.rel @p0 .LBB2_1-.Ltmp0, $4  }
0x2ed: {  	[sflag:s25] =	ssyncadd.s32 $0xFFFFA000  }
0x2ee: {  	_ =	swait.ge [sflag:s25], $0x6000  }
0x2ef: {  	[sflag:s25] =	ssyncset.done $0x0  }
0x2f0: {  	s7 =	sadd.s32 $0xFFFFFFFF, s7;
	[sflag:s25] =	ssyncadd.s32 $0xFFFFA000  }
0x2f1: {  	_ =	sfence.sel $0x180000  }
0x2f2: {  	[bflag:$0x0] =	sbarrier.arrive $0xFFFF  }
0x2f3: {  	_ =	strace $0x90000047  }
0x2f4: {  	s0 =	stileid.u32;
	[bflag:$0x2] =	sbarrier.arrive $0xFFFF  }
0x2f5: {  	p0 =	sne.s32 s0, $0x0;
	s0 =	rddreg [dreg:$0x3]  }
0x2f6: {  	s0 =	sadd.s32 @!p0 $0x100000, s0  }
0x2f7: {  	[sflag:s0] =	ssyncadd.tile.s32 @!p0 $0x1;
	_ =	shalt  }
.Lfunc_end2:
_tile_overlayer_lowered:
.L_overlay_start_2:
0x2f8: {  	(tag) =	ssettag $0x2  }
0x2f9: {  	s0 =	rddreg [dreg:$0x0];
	s2 =	stileid.u32  }
0x2fa: {  	s1 =	rddreg [dreg:$0x1];
	p0 =	sne.s32 s2, $0x0  }
0x2fb: {  	s3 =	rddreg [dreg:$0x2];
	[bflag:$0x3] =	sbarrier.arrive $0xFFFF;
	s2 =	simm.s32 @!p0 $0x1C03  }
0x2fc: {  	[timem:s3], [sflag:s2] =	dma.local @!p0 [hbm:s0], s1  }
0x2fd: {  	s0 =	simm.s32 @!p0 $0x3  }
0x2fe: {  	_ =	swait.ge @!p0 [sflag:s0], s1  }
0x2ff: {  	s1 =	ssub.s32 @!p0 $0x0, s1;
	[sflag:s0] =	ssyncset.done @!p0 $0x0  }
0x300: {  	[sflag:s0] =	ssyncadd.s32 @!p0 s1  }
0x301: {  	[bflag:$0x3] =	sbarrier.arrive $0xFFFF  }
0x302: {  	_ =	shalt  }

</sc_bundles>
